<compile_context>
chip_gen: v7x
topology: tpu7x:2x2x1
jax: 0.10.2.dev20260603
libtpu: 0.0.44.dev20260713+nightly
codegen_flags: <defaults>
</compile_context>

<pallas_src>
import functools

import jax
import jax.numpy as jnp
from jax import lax
from jax.experimental import pallas as pl
from jax.experimental.pallas import tpu as pltpu
from jax.experimental.pallas import tpu_sc as plsc

D = 128
NC, NS = 2, 16
CH = 80
L = 16


def _sc_scatter(x, src3, dst3, zrows):
    n = x.shape[0]
    rps = (n // NS) // 8 * 8
    tail = n - (NS - 1) * rps
    chunks = src3.shape[1]
    mesh = plsc.VectorSubcoreMesh(core_axis_name="c", subcore_axis_name="s",
                                  num_cores=NC, num_subcores=NS)

    @functools.partial(
        pl.kernel,
        out_type=(jax.ShapeDtypeStruct((NC * n, D), jnp.float32),
                  jax.ShapeDtypeStruct((n // 1000, NC * NS, 1000),
                                       jnp.float32)),
        mesh=mesh,
        scratch_types=[
            pltpu.VMEM((chunks, CH), jnp.int32),
            pltpu.VMEM((chunks, CH), jnp.int32),
            pltpu.VMEM((CH, D), jnp.float32),
            pltpu.VMEM((CH, D), jnp.float32),
            pltpu.VMEM((n,), jnp.float32),
            pltpu.VMEM_SHARED((n, D), jnp.float32),
            pltpu.SemaphoreType.DMA,
            pltpu.SemaphoreType.DMA,
        ],
        compiler_params=pltpu.CompilerParams(use_tc_tiling_on_sc=False,
                                             needs_layout_passes=False),
    )
    def k(x_hbm, src_hbm, dst_hbm, z_hbm, out_hbm, cnt_hbm, src_v, dst_v,
          rows0, rows1, cnt_v, s_sh, sem0, sem1):
        c = lax.axis_index("c")
        s = lax.axis_index("s")
        wid = c * NS + s
        pltpu.sync_copy(src_hbm.at[wid], src_v)
        pltpu.sync_copy(dst_hbm.at[wid], dst_v)
        @pl.when((s < NS - 1) & (c == 0))
        def _x0():
            pltpu.sync_copy(x_hbm.at[pl.ds(s * rps, rps)],
                            s_sh.at[pl.ds(s * rps, rps)])

        @pl.when((s == NS - 1) & (c == 0))
        def _x1():
            pltpu.sync_copy(x_hbm.at[pl.ds((NS - 1) * rps, tail)],
                            s_sh.at[pl.ds((NS - 1) * rps, tail)])

        @pl.when((s < NS - 1) & (c == 1))
        def _z0():
            pltpu.sync_copy(z_hbm.at[pl.ds(0, rps)],
                            s_sh.at[pl.ds(s * rps, rps)])

        @pl.when((s == NS - 1) & (c == 1))
        def _z1():
            pltpu.sync_copy(z_hbm, s_sh.at[pl.ds((NS - 1) * rps, tail)])

        fill16 = jnp.where(wid == 0, jnp.full((L,), 1.0, jnp.float32),
                           jnp.zeros((L,), jnp.float32))

        def zc(i, carry):
            cnt_v[pl.ds(i * L, L)] = fill16
            return carry

        lax.fori_loop(0, n // L, zc, 0)
        plsc.subcore_barrier()

        one16 = jnp.full((L,), 1.0, jnp.float32)
        rem = CH % L
        tail_mask = lax.iota(jnp.int32, L) >= (L - rem)

        def count(i):
            for kk in range(CH // L):
                idx = dst_v[i, pl.ds(kk * L, L)]
                plsc.addupdate_scatter(cnt_v, [idx], one16)
            if rem:
                idx = dst_v[i, pl.ds(CH - L, L)]
                plsc.addupdate_scatter(cnt_v, [idx], one16, mask=tail_mask)

        pltpu.async_copy(x_hbm.at[src_v.at[0]], rows0, sem0)
        pltpu.async_copy(x_hbm.at[src_v.at[1]], rows1, sem1)

        def retire(i, rows, sem):
            count(i)
            pltpu.make_async_copy(x_hbm.at[src_v.at[i]], rows, sem).wait()
            pltpu.sync_copy(rows, s_sh.at[dst_v.at[i]], add=True)

        def pair(j, carry):
            i = 2 * j
            retire(i, rows0, sem0)
            pltpu.async_copy(x_hbm.at[src_v.at[i + 2]], rows0, sem0)
            retire(i + 1, rows1, sem1)
            pltpu.async_copy(x_hbm.at[src_v.at[i + 3]], rows1, sem1)
            return carry

        lax.fori_loop(0, (chunks - 3) // 2, pair, 0)
        retire(chunks - 3, rows0, sem0)
        pltpu.async_copy(x_hbm.at[src_v.at[chunks - 1]], rows0, sem0)
        retire(chunks - 2, rows1, sem1)
        retire(chunks - 1, rows0, sem0)
        plsc.subcore_barrier()

        for b in range(n // 1000):
            pltpu.sync_copy(cnt_v.at[pl.ds(b * 1000, 1000)],
                            cnt_hbm.at[b, wid])

        @pl.when(s < NS - 1)
        def _r0():
            pltpu.sync_copy(s_sh.at[pl.ds(s * rps, rps)],
                            out_hbm.at[pl.ds(c * n + s * rps, rps)])

        @pl.when(s == NS - 1)
        def _r1():
            pltpu.sync_copy(s_sh.at[pl.ds((NS - 1) * rps, tail)],
                            out_hbm.at[pl.ds(c * n + (NS - 1) * rps, tail)])

    return k(x, src3, dst3, zrows)


def _tc_dense(sacc, cnt, wlt, bl, w1t, b1r, w2, b2r):
    n = sacc.shape[0] // NC
    nw = cnt.shape[1]
    cb = cnt.shape[2]
    br = 2000
    g = n // br
    cpb = br // cb

    def body(s0, s1, cnt_r, wlt_r, bl_r, w1t_r, b1_r, w2_r, b2_r, out, acc):
        i = pl.program_id(0)

        @pl.when(i == 0)
        def _init():
            acc[...] = jnp.zeros_like(acc)

        ones_col = jnp.ones((nw, 1), jnp.float32)
        cnt_col = jnp.concatenate(
            [lax.dot_general(cnt_r[b], ones_col, (((0,), (0,)), ((), ())),
                             preferred_element_type=jnp.float32)
             for b in range(cpb)], axis=0)
        feat = s0[...] + s1[...]
        agg = feat / cnt_col
        t = jnp.dot(agg, wlt_r[...], preferred_element_type=jnp.float32) + bl_r[...]
        h = jnp.maximum(
            jnp.dot(t, w1t_r[...], preferred_element_type=jnp.float32) + b1_r[...],
            0.0)
        acc[...] = acc[...] + jnp.sum(h, axis=0, keepdims=True)

        @pl.when(i == g - 1)
        def _fin():
            out[...] = (lax.dot_general(acc[...], w2_r[...],
                                        (((1,), (1,)), ((), ())),
                                        preferred_element_type=jnp.float32)
                        + b2_r[...] * float(n))

    full = lambda i: (0, 0)
    ow = w2.shape[0]
    return pl.pallas_call(
        body,
        grid=(g,),
        in_specs=[
            pl.BlockSpec((br, D), lambda i: (i, 0)),
            pl.BlockSpec((br, D), lambda i, _g=g: (i + _g, 0)),
            pl.BlockSpec((cpb, nw, cb), lambda i: (i, 0, 0)),
            pl.BlockSpec((D, D), full),
            pl.BlockSpec((1, D), full),
            pl.BlockSpec((D, D), full),
            pl.BlockSpec((1, D), full),
            pl.BlockSpec((ow, D), full),
            pl.BlockSpec((1, ow), full),
        ],
        out_specs=pl.BlockSpec((1, ow), full),
        out_shape=jax.ShapeDtypeStruct((1, ow), jnp.float32),
        scratch_shapes=[pltpu.VMEM((1, D), jnp.float32)],
    )(sacc, sacc, cnt, wlt, bl, w1t, b1r, w2, b2r)


def kernel(x, edge_index, W_lin, b_lin, W1, b1, W2, b2):
    n, d = x.shape
    e = edge_index.shape[1]
    out_w = W2.shape[0]
    nw = NC * NS
    src3 = edge_index[0].reshape(nw, e // (nw * CH), CH)
    dst3 = edge_index[1].reshape(nw, e // (nw * CH), CH)
    zrows = jnp.zeros((n - (NS - 1) * ((n // NS) // 8 * 8), D), jnp.float32)
    sacc, cnt = _sc_scatter(x, src3, dst3, zrows)
    out_row = _tc_dense(sacc, cnt, W_lin.T, b_lin.reshape(1, D), W1.T,
                        b1.reshape(1, D), W2, b2.reshape(1, out_w))
    return out_row[0]

# --- scband reference (transcript-rebuilt; emitter-appended) ---
"""Pipeline reference for scband-modified-egnn-network-33921651703918 (READ-ONLY COPY).

The authoritative reference and input builder live on the scoring server;
editing this copy changes nothing except your own understanding.
"""

import jax, jax.numpy as jnp
import numpy as np

N = 10000
E = 320000
D = 128
H = 128
OUT = 3


def setup_inputs(seed: int = 0) -> dict:
    key = jax.random.key(seed)
    ks = jax.random.split(key, 8)
    x = jax.random.normal(ks[0], (N, D), dtype=jnp.float32)
    edge_index = jax.random.randint(ks[1], (2, E), 0, N, dtype=jnp.int32)
    # egnn.lin: Linear(D, D)  (num_edge_features == num_node_features == 128)
    W_lin = jax.random.normal(ks[2], (D, D), dtype=jnp.float32) * 0.05
    b_lin = jnp.zeros((D,), dtype=jnp.float32)
    # fc1: Linear(D, 128)
    W1 = jax.random.normal(ks[3], (H, D), dtype=jnp.float32) * 0.05
    b1 = jnp.zeros((H,), dtype=jnp.float32)
    # fc2: Linear(128, 3)
    W2 = jax.random.normal(ks[4], (OUT, H), dtype=jnp.float32) * 0.05
    b2 = jnp.zeros((OUT,), dtype=jnp.float32)
    return {"x": x, "edge_index": edge_index, "W_lin": W_lin, "b_lin": b_lin,
            "W1": W1, "b1": b1, "W2": W2, "b2": b2}


def reference(x, edge_index, W_lin, b_lin, W1, b1, W2, b2):
    n = x.shape[0]
    # add_self_loops
    loops = jnp.arange(n, dtype=edge_index.dtype)
    ei = jnp.concatenate([edge_index, jnp.stack([loops, loops], axis=0)], axis=1)
    src, dst = ei[0], ei[1]
    # message: lin(x_j) where x_j = x[src]
    msg = x[src] @ W_lin.T + b_lin
    # aggr='mean' at destination nodes
    agg_sum = jax.ops.segment_sum(msg, dst, num_segments=n)
    cnt = jax.ops.segment_sum(jnp.ones((ei.shape[1],), dtype=x.dtype), dst, num_segments=n)
    agg = agg_sum / jnp.maximum(cnt, 1.0)[:, None]
    # fc1 -> relu -> fc2 -> sum over nodes
    h = jax.nn.relu(agg @ W1.T + b1)
    out = h @ W2.T + b2
    return jnp.sum(out, axis=0)

if __name__ == "__main__":
    import jax
    _d = setup_inputs()
    print(jax.jit(kernel)(*tuple(_d.values())))

</pallas_src>

<mosaic_0001>
#map = affine_map<(d0, d1) -> (0, 0)>
#map1 = affine_map<(d0, d1) -> (0, 0, 0)>
module attributes {stable_mosaic.version = 14 : i64} {
  func.func @k(%arg0: i32, %arg1: i32, %arg2: memref<10000x128xf32, #tpu.memory_space<hbm>>, %arg3: memref<32x125x80xi32, #tpu.memory_space<hbm>>, %arg4: memref<32x125x80xi32, #tpu.memory_space<hbm>>, %arg5: memref<640x128xf32, #tpu.memory_space<hbm>>, %arg6: memref<20000x128xf32, #tpu.memory_space<hbm>>, %arg7: memref<10x32x1000xf32, #tpu.memory_space<hbm>>, %arg8: memref<125x80xi32, #tpu.memory_space<vmem>>, %arg9: memref<125x80xi32, #tpu.memory_space<vmem>>, %arg10: memref<80x128xf32, #tpu.memory_space<vmem>>, %arg11: memref<80x128xf32, #tpu.memory_space<vmem>>, %arg12: memref<10000xf32, #tpu.memory_space<vmem>>, %arg13: memref<10000x128xf32, #tpu.memory_space<vmem_shared>>, %arg14: memref<!tpu.dma_semaphore, #tpu.memory_space<semaphore_mem>>, %arg15: memref<!tpu.dma_semaphore, #tpu.memory_space<semaphore_mem>>) attributes {dimension_semantics = [#tpu.dimension_semantics<core_parallel>, #tpu.dimension_semantics<subcore_parallel>], iteration_bounds = array<i64: 2, 16>, scalar_prefetch = 0 : i64, scratch_operands = 8 : i64, tpu.core_type = #tpu.core_type<sc_vector_subcore>, window_params = [{transform_indices = #map}, {transform_indices = #map1}, {transform_indices = #map1}, {transform_indices = #map}, {transform_indices = #map}, {transform_indices = #map1}]} {
    %mul3A = arith.constant 16 : i32
    %mul3A_0 = arith.muli %arg0, %mul3A : i32
    %add3A = arith.addi %mul3A_0, %arg1 : i32
    "tpu.region"() ({
      %run_scoped3A_170 = tpu.sem_alloc : memref<!tpu.dma_semaphore, #tpu.memory_space<semaphore_mem>>
      %dma_start3A_171 = arith.constant 0 : i32
      %dma_start3A_172 = arith.constant 0 : i32
      %dma_start3A_173 = tpu.memref_slice %arg3[%add3A, %dma_start3A_171, %dma_start3A_172] : memref<32x125x80xi32, #tpu.memory_space<hbm>> -> memref<1x125x80xi32, #tpu.memory_space<hbm>>
      %dma_start3A_174 = tpu.memref_squeeze %dma_start3A_173 : memref<1x125x80xi32, #tpu.memory_space<hbm>> -> memref<125x80xi32, #tpu.memory_space<hbm>>
      %dma_start3A_175 = arith.constant 0 : i32
      %dma_start3A_176 = arith.constant 0 : i32
      %dma_start3A_177 = tpu.memref_slice %arg3[%add3A, %dma_start3A_175, %dma_start3A_176] : memref<32x125x80xi32, #tpu.memory_space<hbm>> -> memref<1x125x80xi32, #tpu.memory_space<hbm>>
      %dma_start3A_178 = tpu.memref_squeeze %dma_start3A_177 : memref<1x125x80xi32, #tpu.memory_space<hbm>> -> memref<125x80xi32, #tpu.memory_space<hbm>>
      tpu.enqueue_dma source(%dma_start3A_178 : memref<125x80xi32, #tpu.memory_space<hbm>>) target(%arg8 : memref<125x80xi32, #tpu.memory_space<vmem>>) target_semaphore(%run_scoped3A_170 : memref<!tpu.dma_semaphore, #tpu.memory_space<semaphore_mem>>)
      %dma_wait3A_179 = arith.constant 0 : i32
      %dma_wait3A_180 = arith.constant 0 : i32
      %dma_wait3A_181 = tpu.memref_slice %arg3[%add3A, %dma_wait3A_179, %dma_wait3A_180] : memref<32x125x80xi32, #tpu.memory_space<hbm>> -> memref<1x125x80xi32, #tpu.memory_space<hbm>>
      %dma_wait3A_182 = tpu.memref_squeeze %dma_wait3A_181 : memref<1x125x80xi32, #tpu.memory_space<hbm>> -> memref<125x80xi32, #tpu.memory_space<hbm>>
      %dma_wait3A_183 = arith.constant 0 : i32
      %dma_wait3A_184 = arith.constant 0 : i32
      %dma_wait3A_185 = tpu.memref_slice %arg3[%add3A, %dma_wait3A_183, %dma_wait3A_184] : memref<32x125x80xi32, #tpu.memory_space<hbm>> -> memref<1x125x80xi32, #tpu.memory_space<hbm>>
      %dma_wait3A_186 = tpu.memref_squeeze %dma_wait3A_185 : memref<1x125x80xi32, #tpu.memory_space<hbm>> -> memref<125x80xi32, #tpu.memory_space<hbm>>
      tpu.wait_dma2 semaphore(%run_scoped3A_170 : memref<!tpu.dma_semaphore, #tpu.memory_space<semaphore_mem>>) src(%dma_wait3A_186 : memref<125x80xi32, #tpu.memory_space<hbm>>) dst(%arg8 : memref<125x80xi32, #tpu.memory_space<vmem>>)
      tpu.yield
    }) : () -> ()
    "tpu.region"() ({
      %run_scoped3A_170 = tpu.sem_alloc : memref<!tpu.dma_semaphore, #tpu.memory_space<semaphore_mem>>
      %dma_start3A_171 = arith.constant 0 : i32
      %dma_start3A_172 = arith.constant 0 : i32
      %dma_start3A_173 = tpu.memref_slice %arg4[%add3A, %dma_start3A_171, %dma_start3A_172] : memref<32x125x80xi32, #tpu.memory_space<hbm>> -> memref<1x125x80xi32, #tpu.memory_space<hbm>>
      %dma_start3A_174 = tpu.memref_squeeze %dma_start3A_173 : memref<1x125x80xi32, #tpu.memory_space<hbm>> -> memref<125x80xi32, #tpu.memory_space<hbm>>
      %dma_start3A_175 = arith.constant 0 : i32
      %dma_start3A_176 = arith.constant 0 : i32
      %dma_start3A_177 = tpu.memref_slice %arg4[%add3A, %dma_start3A_175, %dma_start3A_176] : memref<32x125x80xi32, #tpu.memory_space<hbm>> -> memref<1x125x80xi32, #tpu.memory_space<hbm>>
      %dma_start3A_178 = tpu.memref_squeeze %dma_start3A_177 : memref<1x125x80xi32, #tpu.memory_space<hbm>> -> memref<125x80xi32, #tpu.memory_space<hbm>>
      tpu.enqueue_dma source(%dma_start3A_178 : memref<125x80xi32, #tpu.memory_space<hbm>>) target(%arg9 : memref<125x80xi32, #tpu.memory_space<vmem>>) target_semaphore(%run_scoped3A_170 : memref<!tpu.dma_semaphore, #tpu.memory_space<semaphore_mem>>)
      %dma_wait3A_179 = arith.constant 0 : i32
      %dma_wait3A_180 = arith.constant 0 : i32
      %dma_wait3A_181 = tpu.memref_slice %arg4[%add3A, %dma_wait3A_179, %dma_wait3A_180] : memref<32x125x80xi32, #tpu.memory_space<hbm>> -> memref<1x125x80xi32, #tpu.memory_space<hbm>>
      %dma_wait3A_182 = tpu.memref_squeeze %dma_wait3A_181 : memref<1x125x80xi32, #tpu.memory_space<hbm>> -> memref<125x80xi32, #tpu.memory_space<hbm>>
      %dma_wait3A_183 = arith.constant 0 : i32
      %dma_wait3A_184 = arith.constant 0 : i32
      %dma_wait3A_185 = tpu.memref_slice %arg4[%add3A, %dma_wait3A_183, %dma_wait3A_184] : memref<32x125x80xi32, #tpu.memory_space<hbm>> -> memref<1x125x80xi32, #tpu.memory_space<hbm>>
      %dma_wait3A_186 = tpu.memref_squeeze %dma_wait3A_185 : memref<1x125x80xi32, #tpu.memory_space<hbm>> -> memref<125x80xi32, #tpu.memory_space<hbm>>
      tpu.wait_dma2 semaphore(%run_scoped3A_170 : memref<!tpu.dma_semaphore, #tpu.memory_space<semaphore_mem>>) src(%dma_wait3A_186 : memref<125x80xi32, #tpu.memory_space<hbm>>) dst(%arg9 : memref<125x80xi32, #tpu.memory_space<vmem>>)
      tpu.yield
    }) : () -> ()
    %lt3A = arith.constant 15 : i32
    %lt3A_1 = arith.cmpi slt, %arg1, %lt3A : i32
    %eq3A = arith.constant 0 : i32
    %eq3A_2 = arith.cmpi eq, %arg0, %eq3A : i32
    %and3A = arith.andi %lt3A_1, %eq3A_2 : i1
    %convert_element_type3A = arith.extui %and3A : i1 to i32
    %cond3A = arith.constant 0 : i32
    %cond3A_3 = arith.cmpi ne, %convert_element_type3A, %cond3A : i32
    scf.if %cond3A_3 {
      %mul3A_170 = arith.constant 624 : i32
      %mul3A_171 = arith.muli %arg1, %mul3A_170 : i32
      %mul3A_172 = arith.constant 624 : i32
      %mul3A_173 = arith.muli %arg1, %mul3A_172 : i32
      "tpu.region"() ({
        %run_scoped3A_174 = tpu.sem_alloc : memref<!tpu.dma_semaphore, #tpu.memory_space<semaphore_mem>>
        %dma_start3A_175 = arith.constant 0 : i32
        %dma_start3A_176 = tpu.memref_slice %arg13[%mul3A_173, %dma_start3A_175] : memref<10000x128xf32, #tpu.memory_space<vmem_shared>> -> memref<624x128xf32, #tpu.memory_space<vmem_shared>>
        %dma_start3A_177 = arith.constant 0 : i32
        %dma_start3A_178 = tpu.memref_slice %arg2[%mul3A_171, %dma_start3A_177] : memref<10000x128xf32, #tpu.memory_space<hbm>> -> memref<624x128xf32, #tpu.memory_space<hbm>>
        tpu.enqueue_dma source(%dma_start3A_178 : memref<624x128xf32, #tpu.memory_space<hbm>>) target(%dma_start3A_176 : memref<624x128xf32, #tpu.memory_space<vmem_shared>>) target_semaphore(%run_scoped3A_174 : memref<!tpu.dma_semaphore, #tpu.memory_space<semaphore_mem>>)
        %dma_wait3A_179 = arith.constant 0 : i32
        %dma_wait3A_180 = tpu.memref_slice %arg13[%mul3A_173, %dma_wait3A_179] : memref<10000x128xf32, #tpu.memory_space<vmem_shared>> -> memref<624x128xf32, #tpu.memory_space<vmem_shared>>
        %dma_wait3A_181 = arith.constant 0 : i32
        %dma_wait3A_182 = tpu.memref_slice %arg2[%mul3A_171, %dma_wait3A_181] : memref<10000x128xf32, #tpu.memory_space<hbm>> -> memref<624x128xf32, #tpu.memory_space<hbm>>
        tpu.wait_dma2 semaphore(%run_scoped3A_174 : memref<!tpu.dma_semaphore, #tpu.memory_space<semaphore_mem>>) src(%dma_wait3A_182 : memref<624x128xf32, #tpu.memory_space<hbm>>) dst(%dma_wait3A_180 : memref<624x128xf32, #tpu.memory_space<vmem_shared>>)
        tpu.yield
      }) : () -> ()
    } else {
    }
    %eq3A_4 = arith.constant 15 : i32
    %eq3A_5 = arith.cmpi eq, %arg1, %eq3A_4 : i32
    %eq3A_6 = arith.constant 0 : i32
    %eq3A_7 = arith.cmpi eq, %arg0, %eq3A_6 : i32
    %and3A_8 = arith.andi %eq3A_5, %eq3A_7 : i1
    %convert_element_type3A_9 = arith.extui %and3A_8 : i1 to i32
    %cond3A_10 = arith.constant 0 : i32
    %cond3A_11 = arith.cmpi ne, %convert_element_type3A_9, %cond3A_10 : i32
    scf.if %cond3A_11 {
      "tpu.region"() ({
        %run_scoped3A_170 = tpu.sem_alloc : memref<!tpu.dma_semaphore, #tpu.memory_space<semaphore_mem>>
        %dma_start3A_171 = arith.constant 9360 : i32
        %dma_start3A_172 = arith.constant 0 : i32
        %dma_start3A_173 = tpu.memref_slice %arg13[%dma_start3A_171, %dma_start3A_172] : memref<10000x128xf32, #tpu.memory_space<vmem_shared>> -> memref<640x128xf32, #tpu.memory_space<vmem_shared>>
        %dma_start3A_174 = arith.constant 9360 : i32
        %dma_start3A_175 = arith.constant 0 : i32
        %dma_start3A_176 = tpu.memref_slice %arg2[%dma_start3A_174, %dma_start3A_175] : memref<10000x128xf32, #tpu.memory_space<hbm>> -> memref<640x128xf32, #tpu.memory_space<hbm>>
        tpu.enqueue_dma source(%dma_start3A_176 : memref<640x128xf32, #tpu.memory_space<hbm>>) target(%dma_start3A_173 : memref<640x128xf32, #tpu.memory_space<vmem_shared>>) target_semaphore(%run_scoped3A_170 : memref<!tpu.dma_semaphore, #tpu.memory_space<semaphore_mem>>)
        %dma_wait3A_177 = arith.constant 9360 : i32
        %dma_wait3A_178 = arith.constant 0 : i32
        %dma_wait3A_179 = tpu.memref_slice %arg13[%dma_wait3A_177, %dma_wait3A_178] : memref<10000x128xf32, #tpu.memory_space<vmem_shared>> -> memref<640x128xf32, #tpu.memory_space<vmem_shared>>
        %dma_wait3A_180 = arith.constant 9360 : i32
        %dma_wait3A_181 = arith.constant 0 : i32
        %dma_wait3A_182 = tpu.memref_slice %arg2[%dma_wait3A_180, %dma_wait3A_181] : memref<10000x128xf32, #tpu.memory_space<hbm>> -> memref<640x128xf32, #tpu.memory_space<hbm>>
        tpu.wait_dma2 semaphore(%run_scoped3A_170 : memref<!tpu.dma_semaphore, #tpu.memory_space<semaphore_mem>>) src(%dma_wait3A_182 : memref<640x128xf32, #tpu.memory_space<hbm>>) dst(%dma_wait3A_179 : memref<640x128xf32, #tpu.memory_space<vmem_shared>>)
        tpu.yield
      }) : () -> ()
    } else {
    }
    %lt3A_12 = arith.constant 15 : i32
    %lt3A_13 = arith.cmpi slt, %arg1, %lt3A_12 : i32
    %eq3A_14 = arith.constant 1 : i32
    %eq3A_15 = arith.cmpi eq, %arg0, %eq3A_14 : i32
    %and3A_16 = arith.andi %lt3A_13, %eq3A_15 : i1
    %convert_element_type3A_17 = arith.extui %and3A_16 : i1 to i32
    %cond3A_18 = arith.constant 0 : i32
    %cond3A_19 = arith.cmpi ne, %convert_element_type3A_17, %cond3A_18 : i32
    scf.if %cond3A_19 {
      %mul3A_170 = arith.constant 624 : i32
      %mul3A_171 = arith.muli %arg1, %mul3A_170 : i32
      "tpu.region"() ({
        %run_scoped3A_172 = tpu.sem_alloc : memref<!tpu.dma_semaphore, #tpu.memory_space<semaphore_mem>>
        %dma_start3A_173 = arith.constant 0 : i32
        %dma_start3A_174 = tpu.memref_slice %arg13[%mul3A_171, %dma_start3A_173] : memref<10000x128xf32, #tpu.memory_space<vmem_shared>> -> memref<624x128xf32, #tpu.memory_space<vmem_shared>>
        %dma_start3A_175 = arith.constant 0 : i32
        %dma_start3A_176 = arith.constant 0 : i32
        %dma_start3A_177 = tpu.memref_slice %arg5[%dma_start3A_175, %dma_start3A_176] : memref<640x128xf32, #tpu.memory_space<hbm>> -> memref<624x128xf32, #tpu.memory_space<hbm>>
        tpu.enqueue_dma source(%dma_start3A_177 : memref<624x128xf32, #tpu.memory_space<hbm>>) target(%dma_start3A_174 : memref<624x128xf32, #tpu.memory_space<vmem_shared>>) target_semaphore(%run_scoped3A_172 : memref<!tpu.dma_semaphore, #tpu.memory_space<semaphore_mem>>)
        %dma_wait3A_178 = arith.constant 0 : i32
        %dma_wait3A_179 = tpu.memref_slice %arg13[%mul3A_171, %dma_wait3A_178] : memref<10000x128xf32, #tpu.memory_space<vmem_shared>> -> memref<624x128xf32, #tpu.memory_space<vmem_shared>>
        %dma_wait3A_180 = arith.constant 0 : i32
        %dma_wait3A_181 = arith.constant 0 : i32
        %dma_wait3A_182 = tpu.memref_slice %arg5[%dma_wait3A_180, %dma_wait3A_181] : memref<640x128xf32, #tpu.memory_space<hbm>> -> memref<624x128xf32, #tpu.memory_space<hbm>>
        tpu.wait_dma2 semaphore(%run_scoped3A_172 : memref<!tpu.dma_semaphore, #tpu.memory_space<semaphore_mem>>) src(%dma_wait3A_182 : memref<624x128xf32, #tpu.memory_space<hbm>>) dst(%dma_wait3A_179 : memref<624x128xf32, #tpu.memory_space<vmem_shared>>)
        tpu.yield
      }) : () -> ()
    } else {
    }
    %eq3A_20 = arith.constant 15 : i32
    %eq3A_21 = arith.cmpi eq, %arg1, %eq3A_20 : i32
    %eq3A_22 = arith.constant 1 : i32
    %eq3A_23 = arith.cmpi eq, %arg0, %eq3A_22 : i32
    %and3A_24 = arith.andi %eq3A_21, %eq3A_23 : i1
    %convert_element_type3A_25 = arith.extui %and3A_24 : i1 to i32
    %cond3A_26 = arith.constant 0 : i32
    %cond3A_27 = arith.cmpi ne, %convert_element_type3A_25, %cond3A_26 : i32
    scf.if %cond3A_27 {
      "tpu.region"() ({
        %run_scoped3A_170 = tpu.sem_alloc : memref<!tpu.dma_semaphore, #tpu.memory_space<semaphore_mem>>
        %dma_start3A_171 = arith.constant 9360 : i32
        %dma_start3A_172 = arith.constant 0 : i32
        %dma_start3A_173 = tpu.memref_slice %arg13[%dma_start3A_171, %dma_start3A_172] : memref<10000x128xf32, #tpu.memory_space<vmem_shared>> -> memref<640x128xf32, #tpu.memory_space<vmem_shared>>
        tpu.enqueue_dma source(%arg5 : memref<640x128xf32, #tpu.memory_space<hbm>>) target(%dma_start3A_173 : memref<640x128xf32, #tpu.memory_space<vmem_shared>>) target_semaphore(%run_scoped3A_170 : memref<!tpu.dma_semaphore, #tpu.memory_space<semaphore_mem>>)
        %dma_wait3A_174 = arith.constant 9360 : i32
        %dma_wait3A_175 = arith.constant 0 : i32
        %dma_wait3A_176 = tpu.memref_slice %arg13[%dma_wait3A_174, %dma_wait3A_175] : memref<10000x128xf32, #tpu.memory_space<vmem_shared>> -> memref<640x128xf32, #tpu.memory_space<vmem_shared>>
        tpu.wait_dma2 semaphore(%run_scoped3A_170 : memref<!tpu.dma_semaphore, #tpu.memory_space<semaphore_mem>>) src(%arg5 : memref<640x128xf32, #tpu.memory_space<hbm>>) dst(%dma_wait3A_176 : memref<640x128xf32, #tpu.memory_space<vmem_shared>>)
        tpu.yield
      }) : () -> ()
    } else {
    }
    %eq3A_28 = arith.constant 0 : i32
    %eq3A_29 = arith.cmpi eq, %add3A, %eq3A_28 : i32
    %broadcast_in_dim3A = arith.constant 1.000000e+00 : f32
    %broadcast_in_dim3A_30 = vector.broadcast %broadcast_in_dim3A : f32 to vector<16xf32>
    %broadcast_in_dim3A_31 = arith.constant 0.000000e+00 : f32
    %broadcast_in_dim3A_32 = vector.broadcast %broadcast_in_dim3A_31 : f32 to vector<16xf32>
    %select_n3A = arith.select %eq3A_29, %broadcast_in_dim3A_30, %broadcast_in_dim3A_32 : vector<16xf32>
    %scan3A = arith.constant 0 : i32
    %scan3A_33 = arith.constant 0 : i32
    %scan3A_34 = arith.constant 625 : i32
    %scan3A_35 = arith.addi %scan3A_33, %scan3A_34 : i32
    %scan3A_36 = arith.constant 1 : i32
    scf.for %scan3A_170 = %scan3A_33 to %scan3A_35 step %scan3A_36  : i32 {
      %mul3A_171 = arith.constant 16 : i32
      %mul3A_172 = arith.muli %scan3A_170, %mul3A_171 : i32
      %swap3A = arith.index_cast %mul3A_172 : i32 to index
      %swap3A_173 = tpu.vector_load %arg12[%swap3A] {strides = array<i32>} : memref<10000xf32, #tpu.memory_space<vmem>>, vector<16xf32>,
      tpu.vector_store %arg12[%swap3A], %select_n3A {strides = array<i32>} : memref<10000xf32, #tpu.memory_space<vmem>>, vector<16xf32>,
    }
    %scan3A_37 = arith.constant 625 : i32
    %barrier3A = arith.constant 0 : index
    tpu.barrier barrier_id(%barrier3A)
    %broadcast_in_dim3A_38 = arith.constant 1.000000e+00 : f32
    %broadcast_in_dim3A_39 = vector.broadcast %broadcast_in_dim3A_38 : f32 to vector<16xf32>
    %iota3A = tpu.iota {dimensions = array<i32: 0>} : vector<16xi32>
    %ge3A = arith.constant 16 : i32
    %ge3A_40 = vector.broadcast %ge3A : i32 to vector<16xi32>
    %ge3A_41 = arith.cmpi sge, %iota3A, %ge3A_40 : vector<16xi32>
    %dma_start3A = arith.constant 0 : i32
    %dma_start3A_42 = arith.constant 0 : i32
    %dma_start3A_43 = tpu.memref_slice %arg8[%dma_start3A, %dma_start3A_42] : memref<125x80xi32, #tpu.memory_space<vmem>> -> memref<1x80xi32, #tpu.memory_space<vmem>>
    %dma_start3A_44 = tpu.memref_squeeze %dma_start3A_43 : memref<1x80xi32, #tpu.memory_space<vmem>> -> memref<80xi32, #tpu.memory_space<vmem>>
    %dma_start3A_45 = arith.constant 0 : i32
    %dma_start3A_46 = arith.constant 0 : i32
    %dma_start3A_47 = tpu.memref_slice %arg2[%dma_start3A_45, %dma_start3A_46] : memref<10000x128xf32, #tpu.memory_space<hbm>> -> memref<10000x128xf32, #tpu.memory_space<hbm>>
    tpu.enqueue_indirect_dma source(%dma_start3A_47 : memref<10000x128xf32, #tpu.memory_space<hbm>>) target(%arg10 : memref<80x128xf32, #tpu.memory_space<vmem>>) offsets(%dma_start3A_44 : memref<80xi32, #tpu.memory_space<vmem>>) semaphore(%arg14 : memref<!tpu.dma_semaphore, #tpu.memory_space<semaphore_mem>>)
    %dma_start3A_48 = arith.constant 1 : i32
    %dma_start3A_49 = arith.constant 0 : i32
    %dma_start3A_50 = tpu.memref_slice %arg8[%dma_start3A_48, %dma_start3A_49] : memref<125x80xi32, #tpu.memory_space<vmem>> -> memref<1x80xi32, #tpu.memory_space<vmem>>
    %dma_start3A_51 = tpu.memref_squeeze %dma_start3A_50 : memref<1x80xi32, #tpu.memory_space<vmem>> -> memref<80xi32, #tpu.memory_space<vmem>>
    %dma_start3A_52 = arith.constant 0 : i32
    %dma_start3A_53 = arith.constant 0 : i32
    %dma_start3A_54 = tpu.memref_slice %arg2[%dma_start3A_52, %dma_start3A_53] : memref<10000x128xf32, #tpu.memory_space<hbm>> -> memref<10000x128xf32, #tpu.memory_space<hbm>>
    tpu.enqueue_indirect_dma source(%dma_start3A_54 : memref<10000x128xf32, #tpu.memory_space<hbm>>) target(%arg11 : memref<80x128xf32, #tpu.memory_space<vmem>>) offsets(%dma_start3A_51 : memref<80xi32, #tpu.memory_space<vmem>>) semaphore(%arg15 : memref<!tpu.dma_semaphore, #tpu.memory_space<semaphore_mem>>)
    %scan3A_55 = arith.constant 0 : i32
    %scan3A_56 = arith.constant 0 : i32
    %scan3A_57 = arith.constant 61 : i32
    %scan3A_58 = arith.addi %scan3A_56, %scan3A_57 : i32
    %scan3A_59 = arith.constant 1 : i32
    scf.for %scan3A_170 = %scan3A_56 to %scan3A_58 step %scan3A_59  : i32 {
      %mul3A_171 = arith.constant 2 : i32
      %mul3A_172 = arith.muli %mul3A_171, %scan3A_170 : i32
      %get3A_173 = arith.index_cast %mul3A_172 : i32 to index
      %get3A_174 = arith.constant 0 : index
      %get3A_175 = tpu.vector_load %arg9[%get3A_173, %get3A_174] {strides = array<i32>} : memref<125x80xi32, #tpu.memory_space<vmem>>, vector<16xi32>,
      tpu.vector_store_idx %arg12[%get3A_175], %broadcast_in_dim3A_39 {add = true} : memref<10000xf32, #tpu.memory_space<vmem>>[vector<16xi32>], vector<16xf32>,
      %get3A_176 = arith.index_cast %mul3A_172 : i32 to index
      %get3A_177 = arith.constant 16 : index
      %get3A_178 = tpu.vector_load %arg9[%get3A_176, %get3A_177] {strides = array<i32>} : memref<125x80xi32, #tpu.memory_space<vmem>>, vector<16xi32>,
      tpu.vector_store_idx %arg12[%get3A_178], %broadcast_in_dim3A_39 {add = true} : memref<10000xf32, #tpu.memory_space<vmem>>[vector<16xi32>], vector<16xf32>,
      %get3A_179 = arith.index_cast %mul3A_172 : i32 to index
      %get3A_180 = arith.constant 32 : index
      %get3A_181 = tpu.vector_load %arg9[%get3A_179, %get3A_180] {strides = array<i32>} : memref<125x80xi32, #tpu.memory_space<vmem>>, vector<16xi32>,
      tpu.vector_store_idx %arg12[%get3A_181], %broadcast_in_dim3A_39 {add = true} : memref<10000xf32, #tpu.memory_space<vmem>>[vector<16xi32>], vector<16xf32>,
      %get3A_182 = arith.index_cast %mul3A_172 : i32 to index
      %get3A_183 = arith.constant 48 : index
      %get3A_184 = tpu.vector_load %arg9[%get3A_182, %get3A_183] {strides = array<i32>} : memref<125x80xi32, #tpu.memory_space<vmem>>, vector<16xi32>,
      tpu.vector_store_idx %arg12[%get3A_184], %broadcast_in_dim3A_39 {add = true} : memref<10000xf32, #tpu.memory_space<vmem>>[vector<16xi32>], vector<16xf32>,
      %get3A_185 = arith.index_cast %mul3A_172 : i32 to index
      %get3A_186 = arith.constant 64 : index
      %get3A_187 = tpu.vector_load %arg9[%get3A_185, %get3A_186] {strides = array<i32>} : memref<125x80xi32, #tpu.memory_space<vmem>>, vector<16xi32>,
      tpu.vector_store_idx %arg12[%get3A_187], %broadcast_in_dim3A_39 {add = true} : memref<10000xf32, #tpu.memory_space<vmem>>[vector<16xi32>], vector<16xf32>,
      %dma_wait3A_188 = arith.constant 0 : i32
      %dma_wait3A_189 = tpu.memref_slice %arg8[%mul3A_172, %dma_wait3A_188] : memref<125x80xi32, #tpu.memory_space<vmem>> -> memref<1x80xi32, #tpu.memory_space<vmem>>
      %dma_wait3A_190 = tpu.memref_squeeze %dma_wait3A_189 : memref<1x80xi32, #tpu.memory_space<vmem>> -> memref<80xi32, #tpu.memory_space<vmem>>
      %dma_wait3A_191 = arith.constant 0 : i32
      %dma_wait3A_192 = arith.constant 0 : i32
      %dma_wait3A_193 = tpu.memref_slice %arg2[%dma_wait3A_191, %dma_wait3A_192] : memref<10000x128xf32, #tpu.memory_space<hbm>> -> memref<10000x128xf32, #tpu.memory_space<hbm>>
      tpu.wait_indirect_dma semaphore(%arg14 : memref<!tpu.dma_semaphore, #tpu.memory_space<semaphore_mem>>) src(%dma_wait3A_193 : memref<10000x128xf32, #tpu.memory_space<hbm>>) dst(%arg10 : memref<80x128xf32, #tpu.memory_space<vmem>>)
      "tpu.region"() ({
        %run_scoped3A_233 = tpu.sem_alloc : memref<!tpu.dma_semaphore, #tpu.memory_space<semaphore_mem>>
        %dma_start3A_234 = arith.constant 0 : i32
        %dma_start3A_235 = tpu.memref_slice %arg9[%mul3A_172, %dma_start3A_234] : memref<125x80xi32, #tpu.memory_space<vmem>> -> memref<1x80xi32, #tpu.memory_space<vmem>>
        %dma_start3A_236 = tpu.memref_squeeze %dma_start3A_235 : memref<1x80xi32, #tpu.memory_space<vmem>> -> memref<80xi32, #tpu.memory_space<vmem>>
        %dma_start3A_237 = arith.constant 0 : i32
        %dma_start3A_238 = arith.constant 0 : i32
        %dma_start3A_239 = tpu.memref_slice %arg13[%dma_start3A_237, %dma_start3A_238] : memref<10000x128xf32, #tpu.memory_space<vmem_shared>> -> memref<10000x128xf32, #tpu.memory_space<vmem_shared>>
        tpu.enqueue_indirect_dma source(%arg10 : memref<80x128xf32, #tpu.memory_space<vmem>>) target(%dma_start3A_239 : memref<10000x128xf32, #tpu.memory_space<vmem_shared>>) offsets(%dma_start3A_236 : memref<80xi32, #tpu.memory_space<vmem>>) semaphore(%run_scoped3A_233 : memref<!tpu.dma_semaphore, #tpu.memory_space<semaphore_mem>>) {add = true}
        %dma_wait3A_240 = arith.constant 0 : i32
        %dma_wait3A_241 = tpu.memref_slice %arg9[%mul3A_172, %dma_wait3A_240] : memref<125x80xi32, #tpu.memory_space<vmem>> -> memref<1x80xi32, #tpu.memory_space<vmem>>
        %dma_wait3A_242 = tpu.memref_squeeze %dma_wait3A_241 : memref<1x80xi32, #tpu.memory_space<vmem>> -> memref<80xi32, #tpu.memory_space<vmem>>
        %dma_wait3A_243 = arith.constant 0 : i32
        %dma_wait3A_244 = arith.constant 0 : i32
        %dma_wait3A_245 = tpu.memref_slice %arg13[%dma_wait3A_243, %dma_wait3A_244] : memref<10000x128xf32, #tpu.memory_space<vmem_shared>> -> memref<10000x128xf32, #tpu.memory_space<vmem_shared>>
        tpu.wait_indirect_dma semaphore(%run_scoped3A_233 : memref<!tpu.dma_semaphore, #tpu.memory_space<semaphore_mem>>) src(%arg10 : memref<80x128xf32, #tpu.memory_space<vmem>>) dst(%dma_wait3A_245 : memref<10000x128xf32, #tpu.memory_space<vmem_shared>>)
        tpu.yield
      }) : () -> ()
      %add3A_194 = arith.constant 2 : i32
      %add3A_195 = arith.addi %mul3A_172, %add3A_194 : i32
      %dma_start3A_196 = arith.constant 0 : i32
      %dma_start3A_197 = tpu.memref_slice %arg8[%add3A_195, %dma_start3A_196] : memref<125x80xi32, #tpu.memory_space<vmem>> -> memref<1x80xi32, #tpu.memory_space<vmem>>
      %dma_start3A_198 = tpu.memref_squeeze %dma_start3A_197 : memref<1x80xi32, #tpu.memory_space<vmem>> -> memref<80xi32, #tpu.memory_space<vmem>>
      %dma_start3A_199 = arith.constant 0 : i32
      %dma_start3A_200 = arith.constant 0 : i32
      %dma_start3A_201 = tpu.memref_slice %arg2[%dma_start3A_199, %dma_start3A_200] : memref<10000x128xf32, #tpu.memory_space<hbm>> -> memref<10000x128xf32, #tpu.memory_space<hbm>>
      tpu.enqueue_indirect_dma source(%dma_start3A_201 : memref<10000x128xf32, #tpu.memory_space<hbm>>) target(%arg10 : memref<80x128xf32, #tpu.memory_space<vmem>>) offsets(%dma_start3A_198 : memref<80xi32, #tpu.memory_space<vmem>>) semaphore(%arg14 : memref<!tpu.dma_semaphore, #tpu.memory_space<semaphore_mem>>)
      %add3A_202 = arith.constant 1 : i32
      %add3A_203 = arith.addi %mul3A_172, %add3A_202 : i32
      %get3A_204 = arith.index_cast %add3A_203 : i32 to index
      %get3A_205 = arith.constant 0 : index
      %get3A_206 = tpu.vector_load %arg9[%get3A_204, %get3A_205] {strides = array<i32>} : memref<125x80xi32, #tpu.memory_space<vmem>>, vector<16xi32>,
      tpu.vector_store_idx %arg12[%get3A_206], %broadcast_in_dim3A_39 {add = true} : memref<10000xf32, #tpu.memory_space<vmem>>[vector<16xi32>], vector<16xf32>,
      %get3A_207 = arith.index_cast %add3A_203 : i32 to index
      %get3A_208 = arith.constant 16 : index
      %get3A_209 = tpu.vector_load %arg9[%get3A_207, %get3A_208] {strides = array<i32>} : memref<125x80xi32, #tpu.memory_space<vmem>>, vector<16xi32>,
      tpu.vector_store_idx %arg12[%get3A_209], %broadcast_in_dim3A_39 {add = true} : memref<10000xf32, #tpu.memory_space<vmem>>[vector<16xi32>], vector<16xf32>,
      %get3A_210 = arith.index_cast %add3A_203 : i32 to index
      %get3A_211 = arith.constant 32 : index
      %get3A_212 = tpu.vector_load %arg9[%get3A_210, %get3A_211] {strides = array<i32>} : memref<125x80xi32, #tpu.memory_space<vmem>>, vector<16xi32>,
      tpu.vector_store_idx %arg12[%get3A_212], %broadcast_in_dim3A_39 {add = true} : memref<10000xf32, #tpu.memory_space<vmem>>[vector<16xi32>], vector<16xf32>,
      %get3A_213 = arith.index_cast %add3A_203 : i32 to index
      %get3A_214 = arith.constant 48 : index
      %get3A_215 = tpu.vector_load %arg9[%get3A_213, %get3A_214] {strides = array<i32>} : memref<125x80xi32, #tpu.memory_space<vmem>>, vector<16xi32>,
      tpu.vector_store_idx %arg12[%get3A_215], %broadcast_in_dim3A_39 {add = true} : memref<10000xf32, #tpu.memory_space<vmem>>[vector<16xi32>], vector<16xf32>,
      %get3A_216 = arith.index_cast %add3A_203 : i32 to index
      %get3A_217 = arith.constant 64 : index
      %get3A_218 = tpu.vector_load %arg9[%get3A_216, %get3A_217] {strides = array<i32>} : memref<125x80xi32, #tpu.memory_space<vmem>>, vector<16xi32>,
      tpu.vector_store_idx %arg12[%get3A_218], %broadcast_in_dim3A_39 {add = true} : memref<10000xf32, #tpu.memory_space<vmem>>[vector<16xi32>], vector<16xf32>,
      %dma_wait3A_219 = arith.constant 0 : i32
      %dma_wait3A_220 = tpu.memref_slice %arg8[%add3A_203, %dma_wait3A_219] : memref<125x80xi32, #tpu.memory_space<vmem>> -> memref<1x80xi32, #tpu.memory_space<vmem>>
      %dma_wait3A_221 = tpu.memref_squeeze %dma_wait3A_220 : memref<1x80xi32, #tpu.memory_space<vmem>> -> memref<80xi32, #tpu.memory_space<vmem>>
      %dma_wait3A_222 = arith.constant 0 : i32
      %dma_wait3A_223 = arith.constant 0 : i32
      %dma_wait3A_224 = tpu.memref_slice %arg2[%dma_wait3A_222, %dma_wait3A_223] : memref<10000x128xf32, #tpu.memory_space<hbm>> -> memref<10000x128xf32, #tpu.memory_space<hbm>>
      tpu.wait_indirect_dma semaphore(%arg15 : memref<!tpu.dma_semaphore, #tpu.memory_space<semaphore_mem>>) src(%dma_wait3A_224 : memref<10000x128xf32, #tpu.memory_space<hbm>>) dst(%arg11 : memref<80x128xf32, #tpu.memory_space<vmem>>)
      "tpu.region"() ({
        %run_scoped3A_233 = tpu.sem_alloc : memref<!tpu.dma_semaphore, #tpu.memory_space<semaphore_mem>>
        %dma_start3A_234 = arith.constant 0 : i32
        %dma_start3A_235 = tpu.memref_slice %arg9[%add3A_203, %dma_start3A_234] : memref<125x80xi32, #tpu.memory_space<vmem>> -> memref<1x80xi32, #tpu.memory_space<vmem>>
        %dma_start3A_236 = tpu.memref_squeeze %dma_start3A_235 : memref<1x80xi32, #tpu.memory_space<vmem>> -> memref<80xi32, #tpu.memory_space<vmem>>
        %dma_start3A_237 = arith.constant 0 : i32
        %dma_start3A_238 = arith.constant 0 : i32
        %dma_start3A_239 = tpu.memref_slice %arg13[%dma_start3A_237, %dma_start3A_238] : memref<10000x128xf32, #tpu.memory_space<vmem_shared>> -> memref<10000x128xf32, #tpu.memory_space<vmem_shared>>
        tpu.enqueue_indirect_dma source(%arg11 : memref<80x128xf32, #tpu.memory_space<vmem>>) target(%dma_start3A_239 : memref<10000x128xf32, #tpu.memory_space<vmem_shared>>) offsets(%dma_start3A_236 : memref<80xi32, #tpu.memory_space<vmem>>) semaphore(%run_scoped3A_233 : memref<!tpu.dma_semaphore, #tpu.memory_space<semaphore_mem>>) {add = true}
        %dma_wait3A_240 = arith.constant 0 : i32
        %dma_wait3A_241 = tpu.memref_slice %arg9[%add3A_203, %dma_wait3A_240] : memref<125x80xi32, #tpu.memory_space<vmem>> -> memref<1x80xi32, #tpu.memory_space<vmem>>
        %dma_wait3A_242 = tpu.memref_squeeze %dma_wait3A_241 : memref<1x80xi32, #tpu.memory_space<vmem>> -> memref<80xi32, #tpu.memory_space<vmem>>
        %dma_wait3A_243 = arith.constant 0 : i32
        %dma_wait3A_244 = arith.constant 0 : i32
        %dma_wait3A_245 = tpu.memref_slice %arg13[%dma_wait3A_243, %dma_wait3A_244] : memref<10000x128xf32, #tpu.memory_space<vmem_shared>> -> memref<10000x128xf32, #tpu.memory_space<vmem_shared>>
        tpu.wait_indirect_dma semaphore(%run_scoped3A_233 : memref<!tpu.dma_semaphore, #tpu.memory_space<semaphore_mem>>) src(%arg11 : memref<80x128xf32, #tpu.memory_space<vmem>>) dst(%dma_wait3A_245 : memref<10000x128xf32, #tpu.memory_space<vmem_shared>>)
        tpu.yield
      }) : () -> ()
      %add3A_225 = arith.constant 3 : i32
      %add3A_226 = arith.addi %mul3A_172, %add3A_225 : i32
      %dma_start3A_227 = arith.constant 0 : i32
      %dma_start3A_228 = tpu.memref_slice %arg8[%add3A_226, %dma_start3A_227] : memref<125x80xi32, #tpu.memory_space<vmem>> -> memref<1x80xi32, #tpu.memory_space<vmem>>
      %dma_start3A_229 = tpu.memref_squeeze %dma_start3A_228 : memref<1x80xi32, #tpu.memory_space<vmem>> -> memref<80xi32, #tpu.memory_space<vmem>>
      %dma_start3A_230 = arith.constant 0 : i32
      %dma_start3A_231 = arith.constant 0 : i32
      %dma_start3A_232 = tpu.memref_slice %arg2[%dma_start3A_230, %dma_start3A_231] : memref<10000x128xf32, #tpu.memory_space<hbm>> -> memref<10000x128xf32, #tpu.memory_space<hbm>>
      tpu.enqueue_indirect_dma source(%dma_start3A_232 : memref<10000x128xf32, #tpu.memory_space<hbm>>) target(%arg11 : memref<80x128xf32, #tpu.memory_space<vmem>>) offsets(%dma_start3A_229 : memref<80xi32, #tpu.memory_space<vmem>>) semaphore(%arg15 : memref<!tpu.dma_semaphore, #tpu.memory_space<semaphore_mem>>)
    }
    %scan3A_60 = arith.constant 61 : i32
    %get3A = arith.constant 122 : i32
    %get3A_61 = arith.index_cast %get3A : i32 to index
    %get3A_62 = arith.constant 0 : index
    %get3A_63 = tpu.vector_load %arg9[%get3A_61, %get3A_62] {strides = array<i32>} : memref<125x80xi32, #tpu.memory_space<vmem>>, vector<16xi32>,
    tpu.vector_store_idx %arg12[%get3A_63], %broadcast_in_dim3A_39 {add = true} : memref<10000xf32, #tpu.memory_space<vmem>>[vector<16xi32>], vector<16xf32>,
    %get3A_64 = arith.constant 122 : i32
    %get3A_65 = arith.index_cast %get3A_64 : i32 to index
    %get3A_66 = arith.constant 16 : index
    %get3A_67 = tpu.vector_load %arg9[%get3A_65, %get3A_66] {strides = array<i32>} : memref<125x80xi32, #tpu.memory_space<vmem>>, vector<16xi32>,
    tpu.vector_store_idx %arg12[%get3A_67], %broadcast_in_dim3A_39 {add = true} : memref<10000xf32, #tpu.memory_space<vmem>>[vector<16xi32>], vector<16xf32>,
    %get3A_68 = arith.constant 122 : i32
    %get3A_69 = arith.index_cast %get3A_68 : i32 to index
    %get3A_70 = arith.constant 32 : index
    %get3A_71 = tpu.vector_load %arg9[%get3A_69, %get3A_70] {strides = array<i32>} : memref<125x80xi32, #tpu.memory_space<vmem>>, vector<16xi32>,
    tpu.vector_store_idx %arg12[%get3A_71], %broadcast_in_dim3A_39 {add = true} : memref<10000xf32, #tpu.memory_space<vmem>>[vector<16xi32>], vector<16xf32>,
    %get3A_72 = arith.constant 122 : i32
    %get3A_73 = arith.index_cast %get3A_72 : i32 to index
    %get3A_74 = arith.constant 48 : index
    %get3A_75 = tpu.vector_load %arg9[%get3A_73, %get3A_74] {strides = array<i32>} : memref<125x80xi32, #tpu.memory_space<vmem>>, vector<16xi32>,
    tpu.vector_store_idx %arg12[%get3A_75], %broadcast_in_dim3A_39 {add = true} : memref<10000xf32, #tpu.memory_space<vmem>>[vector<16xi32>], vector<16xf32>,
    %get3A_76 = arith.constant 122 : i32
    %get3A_77 = arith.index_cast %get3A_76 : i32 to index
    %get3A_78 = arith.constant 64 : index
    %get3A_79 = tpu.vector_load %arg9[%get3A_77, %get3A_78] {strides = array<i32>} : memref<125x80xi32, #tpu.memory_space<vmem>>, vector<16xi32>,
    tpu.vector_store_idx %arg12[%get3A_79], %broadcast_in_dim3A_39 {add = true} : memref<10000xf32, #tpu.memory_space<vmem>>[vector<16xi32>], vector<16xf32>,
    %dma_wait3A = arith.constant 122 : i32
    %dma_wait3A_80 = arith.constant 0 : i32
    %dma_wait3A_81 = tpu.memref_slice %arg8[%dma_wait3A, %dma_wait3A_80] : memref<125x80xi32, #tpu.memory_space<vmem>> -> memref<1x80xi32, #tpu.memory_space<vmem>>
    %dma_wait3A_82 = tpu.memref_squeeze %dma_wait3A_81 : memref<1x80xi32, #tpu.memory_space<vmem>> -> memref<80xi32, #tpu.memory_space<vmem>>
    %dma_wait3A_83 = arith.constant 0 : i32
    %dma_wait3A_84 = arith.constant 0 : i32
    %dma_wait3A_85 = tpu.memref_slice %arg2[%dma_wait3A_83, %dma_wait3A_84] : memref<10000x128xf32, #tpu.memory_space<hbm>> -> memref<10000x128xf32, #tpu.memory_space<hbm>>
    tpu.wait_indirect_dma semaphore(%arg14 : memref<!tpu.dma_semaphore, #tpu.memory_space<semaphore_mem>>) src(%dma_wait3A_85 : memref<10000x128xf32, #tpu.memory_space<hbm>>) dst(%arg10 : memref<80x128xf32, #tpu.memory_space<vmem>>)
    %run_scoped3A = arith.constant 122 : i32
    "tpu.region"() ({
      %run_scoped3A_170 = tpu.sem_alloc : memref<!tpu.dma_semaphore, #tpu.memory_space<semaphore_mem>>
      %dma_start3A_171 = arith.constant 0 : i32
      %dma_start3A_172 = tpu.memref_slice %arg9[%run_scoped3A, %dma_start3A_171] : memref<125x80xi32, #tpu.memory_space<vmem>> -> memref<1x80xi32, #tpu.memory_space<vmem>>
      %dma_start3A_173 = tpu.memref_squeeze %dma_start3A_172 : memref<1x80xi32, #tpu.memory_space<vmem>> -> memref<80xi32, #tpu.memory_space<vmem>>
      %dma_start3A_174 = arith.constant 0 : i32
      %dma_start3A_175 = arith.constant 0 : i32
      %dma_start3A_176 = tpu.memref_slice %arg13[%dma_start3A_174, %dma_start3A_175] : memref<10000x128xf32, #tpu.memory_space<vmem_shared>> -> memref<10000x128xf32, #tpu.memory_space<vmem_shared>>
      tpu.enqueue_indirect_dma source(%arg10 : memref<80x128xf32, #tpu.memory_space<vmem>>) target(%dma_start3A_176 : memref<10000x128xf32, #tpu.memory_space<vmem_shared>>) offsets(%dma_start3A_173 : memref<80xi32, #tpu.memory_space<vmem>>) semaphore(%run_scoped3A_170 : memref<!tpu.dma_semaphore, #tpu.memory_space<semaphore_mem>>) {add = true}
      %dma_wait3A_177 = arith.constant 0 : i32
      %dma_wait3A_178 = tpu.memref_slice %arg9[%run_scoped3A, %dma_wait3A_177] : memref<125x80xi32, #tpu.memory_space<vmem>> -> memref<1x80xi32, #tpu.memory_space<vmem>>
      %dma_wait3A_179 = tpu.memref_squeeze %dma_wait3A_178 : memref<1x80xi32, #tpu.memory_space<vmem>> -> memref<80xi32, #tpu.memory_space<vmem>>
      %dma_wait3A_180 = arith.constant 0 : i32
      %dma_wait3A_181 = arith.constant 0 : i32
      %dma_wait3A_182 = tpu.memref_slice %arg13[%dma_wait3A_180, %dma_wait3A_181] : memref<10000x128xf32, #tpu.memory_space<vmem_shared>> -> memref<10000x128xf32, #tpu.memory_space<vmem_shared>>
      tpu.wait_indirect_dma semaphore(%run_scoped3A_170 : memref<!tpu.dma_semaphore, #tpu.memory_space<semaphore_mem>>) src(%arg10 : memref<80x128xf32, #tpu.memory_space<vmem>>) dst(%dma_wait3A_182 : memref<10000x128xf32, #tpu.memory_space<vmem_shared>>)
      tpu.yield
    }) : () -> ()
    %dma_start3A_86 = arith.constant 124 : i32
    %dma_start3A_87 = arith.constant 0 : i32
    %dma_start3A_88 = tpu.memref_slice %arg8[%dma_start3A_86, %dma_start3A_87] : memref<125x80xi32, #tpu.memory_space<vmem>> -> memref<1x80xi32, #tpu.memory_space<vmem>>
    %dma_start3A_89 = tpu.memref_squeeze %dma_start3A_88 : memref<1x80xi32, #tpu.memory_space<vmem>> -> memref<80xi32, #tpu.memory_space<vmem>>
    %dma_start3A_90 = arith.constant 0 : i32
    %dma_start3A_91 = arith.constant 0 : i32
    %dma_start3A_92 = tpu.memref_slice %arg2[%dma_start3A_90, %dma_start3A_91] : memref<10000x128xf32, #tpu.memory_space<hbm>> -> memref<10000x128xf32, #tpu.memory_space<hbm>>
    tpu.enqueue_indirect_dma source(%dma_start3A_92 : memref<10000x128xf32, #tpu.memory_space<hbm>>) target(%arg10 : memref<80x128xf32, #tpu.memory_space<vmem>>) offsets(%dma_start3A_89 : memref<80xi32, #tpu.memory_space<vmem>>) semaphore(%arg14 : memref<!tpu.dma_semaphore, #tpu.memory_space<semaphore_mem>>)
    %get3A_93 = arith.constant 123 : i32
    %get3A_94 = arith.index_cast %get3A_93 : i32 to index
    %get3A_95 = arith.constant 0 : index
    %get3A_96 = tpu.vector_load %arg9[%get3A_94, %get3A_95] {strides = array<i32>} : memref<125x80xi32, #tpu.memory_space<vmem>>, vector<16xi32>,
    tpu.vector_store_idx %arg12[%get3A_96], %broadcast_in_dim3A_39 {add = true} : memref<10000xf32, #tpu.memory_space<vmem>>[vector<16xi32>], vector<16xf32>,
    %get3A_97 = arith.constant 123 : i32
    %get3A_98 = arith.index_cast %get3A_97 : i32 to index
    %get3A_99 = arith.constant 16 : index
    %get3A_100 = tpu.vector_load %arg9[%get3A_98, %get3A_99] {strides = array<i32>} : memref<125x80xi32, #tpu.memory_space<vmem>>, vector<16xi32>,
    tpu.vector_store_idx %arg12[%get3A_100], %broadcast_in_dim3A_39 {add = true} : memref<10000xf32, #tpu.memory_space<vmem>>[vector<16xi32>], vector<16xf32>,
    %get3A_101 = arith.constant 123 : i32
    %get3A_102 = arith.index_cast %get3A_101 : i32 to index
    %get3A_103 = arith.constant 32 : index
    %get3A_104 = tpu.vector_load %arg9[%get3A_102, %get3A_103] {strides = array<i32>} : memref<125x80xi32, #tpu.memory_space<vmem>>, vector<16xi32>,
    tpu.vector_store_idx %arg12[%get3A_104], %broadcast_in_dim3A_39 {add = true} : memref<10000xf32, #tpu.memory_space<vmem>>[vector<16xi32>], vector<16xf32>,
    %get3A_105 = arith.constant 123 : i32
    %get3A_106 = arith.index_cast %get3A_105 : i32 to index
    %get3A_107 = arith.constant 48 : index
    %get3A_108 = tpu.vector_load %arg9[%get3A_106, %get3A_107] {strides = array<i32>} : memref<125x80xi32, #tpu.memory_space<vmem>>, vector<16xi32>,
    tpu.vector_store_idx %arg12[%get3A_108], %broadcast_in_dim3A_39 {add = true} : memref<10000xf32, #tpu.memory_space<vmem>>[vector<16xi32>], vector<16xf32>,
    %get3A_109 = arith.constant 123 : i32
    %get3A_110 = arith.index_cast %get3A_109 : i32 to index
    %get3A_111 = arith.constant 64 : index
    %get3A_112 = tpu.vector_load %arg9[%get3A_110, %get3A_111] {strides = array<i32>} : memref<125x80xi32, #tpu.memory_space<vmem>>, vector<16xi32>,
    tpu.vector_store_idx %arg12[%get3A_112], %broadcast_in_dim3A_39 {add = true} : memref<10000xf32, #tpu.memory_space<vmem>>[vector<16xi32>], vector<16xf32>,
    %dma_wait3A_113 = arith.constant 123 : i32
    %dma_wait3A_114 = arith.constant 0 : i32
    %dma_wait3A_115 = tpu.memref_slice %arg8[%dma_wait3A_113, %dma_wait3A_114] : memref<125x80xi32, #tpu.memory_space<vmem>> -> memref<1x80xi32, #tpu.memory_space<vmem>>
    %dma_wait3A_116 = tpu.memref_squeeze %dma_wait3A_115 : memref<1x80xi32, #tpu.memory_space<vmem>> -> memref<80xi32, #tpu.memory_space<vmem>>
    %dma_wait3A_117 = arith.constant 0 : i32
    %dma_wait3A_118 = arith.constant 0 : i32
    %dma_wait3A_119 = tpu.memref_slice %arg2[%dma_wait3A_117, %dma_wait3A_118] : memref<10000x128xf32, #tpu.memory_space<hbm>> -> memref<10000x128xf32, #tpu.memory_space<hbm>>
    tpu.wait_indirect_dma semaphore(%arg15 : memref<!tpu.dma_semaphore, #tpu.memory_space<semaphore_mem>>) src(%dma_wait3A_119 : memref<10000x128xf32, #tpu.memory_space<hbm>>) dst(%arg11 : memref<80x128xf32, #tpu.memory_space<vmem>>)
    %run_scoped3A_120 = arith.constant 123 : i32
    "tpu.region"() ({
      %run_scoped3A_170 = tpu.sem_alloc : memref<!tpu.dma_semaphore, #tpu.memory_space<semaphore_mem>>
      %dma_start3A_171 = arith.constant 0 : i32
      %dma_start3A_172 = tpu.memref_slice %arg9[%run_scoped3A_120, %dma_start3A_171] : memref<125x80xi32, #tpu.memory_space<vmem>> -> memref<1x80xi32, #tpu.memory_space<vmem>>
      %dma_start3A_173 = tpu.memref_squeeze %dma_start3A_172 : memref<1x80xi32, #tpu.memory_space<vmem>> -> memref<80xi32, #tpu.memory_space<vmem>>
      %dma_start3A_174 = arith.constant 0 : i32
      %dma_start3A_175 = arith.constant 0 : i32
      %dma_start3A_176 = tpu.memref_slice %arg13[%dma_start3A_174, %dma_start3A_175] : memref<10000x128xf32, #tpu.memory_space<vmem_shared>> -> memref<10000x128xf32, #tpu.memory_space<vmem_shared>>
      tpu.enqueue_indirect_dma source(%arg11 : memref<80x128xf32, #tpu.memory_space<vmem>>) target(%dma_start3A_176 : memref<10000x128xf32, #tpu.memory_space<vmem_shared>>) offsets(%dma_start3A_173 : memref<80xi32, #tpu.memory_space<vmem>>) semaphore(%run_scoped3A_170 : memref<!tpu.dma_semaphore, #tpu.memory_space<semaphore_mem>>) {add = true}
      %dma_wait3A_177 = arith.constant 0 : i32
      %dma_wait3A_178 = tpu.memref_slice %arg9[%run_scoped3A_120, %dma_wait3A_177] : memref<125x80xi32, #tpu.memory_space<vmem>> -> memref<1x80xi32, #tpu.memory_space<vmem>>
      %dma_wait3A_179 = tpu.memref_squeeze %dma_wait3A_178 : memref<1x80xi32, #tpu.memory_space<vmem>> -> memref<80xi32, #tpu.memory_space<vmem>>
      %dma_wait3A_180 = arith.constant 0 : i32
      %dma_wait3A_181 = arith.constant 0 : i32
      %dma_wait3A_182 = tpu.memref_slice %arg13[%dma_wait3A_180, %dma_wait3A_181] : memref<10000x128xf32, #tpu.memory_space<vmem_shared>> -> memref<10000x128xf32, #tpu.memory_space<vmem_shared>>
      tpu.wait_indirect_dma semaphore(%run_scoped3A_170 : memref<!tpu.dma_semaphore, #tpu.memory_space<semaphore_mem>>) src(%arg11 : memref<80x128xf32, #tpu.memory_space<vmem>>) dst(%dma_wait3A_182 : memref<10000x128xf32, #tpu.memory_space<vmem_shared>>)
      tpu.yield
    }) : () -> ()
    %get3A_121 = arith.constant 124 : i32
    %get3A_122 = arith.index_cast %get3A_121 : i32 to index
    %get3A_123 = arith.constant 0 : index
    %get3A_124 = tpu.vector_load %arg9[%get3A_122, %get3A_123] {strides = array<i32>} : memref<125x80xi32, #tpu.memory_space<vmem>>, vector<16xi32>,
    tpu.vector_store_idx %arg12[%get3A_124], %broadcast_in_dim3A_39 {add = true} : memref<10000xf32, #tpu.memory_space<vmem>>[vector<16xi32>], vector<16xf32>,
    %get3A_125 = arith.constant 124 : i32
    %get3A_126 = arith.index_cast %get3A_125 : i32 to index
    %get3A_127 = arith.constant 16 : index
    %get3A_128 = tpu.vector_load %arg9[%get3A_126, %get3A_127] {strides = array<i32>} : memref<125x80xi32, #tpu.memory_space<vmem>>, vector<16xi32>,
    tpu.vector_store_idx %arg12[%get3A_128], %broadcast_in_dim3A_39 {add = true} : memref<10000xf32, #tpu.memory_space<vmem>>[vector<16xi32>], vector<16xf32>,
    %get3A_129 = arith.constant 124 : i32
    %get3A_130 = arith.index_cast %get3A_129 : i32 to index
    %get3A_131 = arith.constant 32 : index
    %get3A_132 = tpu.vector_load %arg9[%get3A_130, %get3A_131] {strides = array<i32>} : memref<125x80xi32, #tpu.memory_space<vmem>>, vector<16xi32>,
    tpu.vector_store_idx %arg12[%get3A_132], %broadcast_in_dim3A_39 {add = true} : memref<10000xf32, #tpu.memory_space<vmem>>[vector<16xi32>], vector<16xf32>,
    %get3A_133 = arith.constant 124 : i32
    %get3A_134 = arith.index_cast %get3A_133 : i32 to index
    %get3A_135 = arith.constant 48 : index
    %get3A_136 = tpu.vector_load %arg9[%get3A_134, %get3A_135] {strides = array<i32>} : memref<125x80xi32, #tpu.memory_space<vmem>>, vector<16xi32>,
    tpu.vector_store_idx %arg12[%get3A_136], %broadcast_in_dim3A_39 {add = true} : memref<10000xf32, #tpu.memory_space<vmem>>[vector<16xi32>], vector<16xf32>,
    %get3A_137 = arith.constant 124 : i32
    %get3A_138 = arith.index_cast %get3A_137 : i32 to index
    %get3A_139 = arith.constant 64 : index
    %get3A_140 = tpu.vector_load %arg9[%get3A_138, %get3A_139] {strides = array<i32>} : memref<125x80xi32, #tpu.memory_space<vmem>>, vector<16xi32>,
    tpu.vector_store_idx %arg12[%get3A_140], %broadcast_in_dim3A_39 {add = true} : memref<10000xf32, #tpu.memory_space<vmem>>[vector<16xi32>], vector<16xf32>,
    %dma_wait3A_141 = arith.constant 124 : i32
    %dma_wait3A_142 = arith.constant 0 : i32
    %dma_wait3A_143 = tpu.memref_slice %arg8[%dma_wait3A_141, %dma_wait3A_142] : memref<125x80xi32, #tpu.memory_space<vmem>> -> memref<1x80xi32, #tpu.memory_space<vmem>>
    %dma_wait3A_144 = tpu.memref_squeeze %dma_wait3A_143 : memref<1x80xi32, #tpu.memory_space<vmem>> -> memref<80xi32, #tpu.memory_space<vmem>>
    %dma_wait3A_145 = arith.constant 0 : i32
    %dma_wait3A_146 = arith.constant 0 : i32
    %dma_wait3A_147 = tpu.memref_slice %arg2[%dma_wait3A_145, %dma_wait3A_146] : memref<10000x128xf32, #tpu.memory_space<hbm>> -> memref<10000x128xf32, #tpu.memory_space<hbm>>
    tpu.wait_indirect_dma semaphore(%arg14 : memref<!tpu.dma_semaphore, #tpu.memory_space<semaphore_mem>>) src(%dma_wait3A_147 : memref<10000x128xf32, #tpu.memory_space<hbm>>) dst(%arg10 : memref<80x128xf32, #tpu.memory_space<vmem>>)
    %run_scoped3A_148 = arith.constant 124 : i32
    "tpu.region"() ({
      %run_scoped3A_170 = tpu.sem_alloc : memref<!tpu.dma_semaphore, #tpu.memory_space<semaphore_mem>>
      %dma_start3A_171 = arith.constant 0 : i32
      %dma_start3A_172 = tpu.memref_slice %arg9[%run_scoped3A_148, %dma_start3A_171] : memref<125x80xi32, #tpu.memory_space<vmem>> -> memref<1x80xi32, #tpu.memory_space<vmem>>
      %dma_start3A_173 = tpu.memref_squeeze %dma_start3A_172 : memref<1x80xi32, #tpu.memory_space<vmem>> -> memref<80xi32, #tpu.memory_space<vmem>>
      %dma_start3A_174 = arith.constant 0 : i32
      %dma_start3A_175 = arith.constant 0 : i32
      %dma_start3A_176 = tpu.memref_slice %arg13[%dma_start3A_174, %dma_start3A_175] : memref<10000x128xf32, #tpu.memory_space<vmem_shared>> -> memref<10000x128xf32, #tpu.memory_space<vmem_shared>>
      tpu.enqueue_indirect_dma source(%arg10 : memref<80x128xf32, #tpu.memory_space<vmem>>) target(%dma_start3A_176 : memref<10000x128xf32, #tpu.memory_space<vmem_shared>>) offsets(%dma_start3A_173 : memref<80xi32, #tpu.memory_space<vmem>>) semaphore(%run_scoped3A_170 : memref<!tpu.dma_semaphore, #tpu.memory_space<semaphore_mem>>) {add = true}
      %dma_wait3A_177 = arith.constant 0 : i32
      %dma_wait3A_178 = tpu.memref_slice %arg9[%run_scoped3A_148, %dma_wait3A_177] : memref<125x80xi32, #tpu.memory_space<vmem>> -> memref<1x80xi32, #tpu.memory_space<vmem>>
      %dma_wait3A_179 = tpu.memref_squeeze %dma_wait3A_178 : memref<1x80xi32, #tpu.memory_space<vmem>> -> memref<80xi32, #tpu.memory_space<vmem>>
      %dma_wait3A_180 = arith.constant 0 : i32
      %dma_wait3A_181 = arith.constant 0 : i32
      %dma_wait3A_182 = tpu.memref_slice %arg13[%dma_wait3A_180, %dma_wait3A_181] : memref<10000x128xf32, #tpu.memory_space<vmem_shared>> -> memref<10000x128xf32, #tpu.memory_space<vmem_shared>>
      tpu.wait_indirect_dma semaphore(%run_scoped3A_170 : memref<!tpu.dma_semaphore, #tpu.memory_space<semaphore_mem>>) src(%arg10 : memref<80x128xf32, #tpu.memory_space<vmem>>) dst(%dma_wait3A_182 : memref<10000x128xf32, #tpu.memory_space<vmem_shared>>)
      tpu.yield
    }) : () -> ()
    %barrier3A_149 = arith.constant 0 : index
    tpu.barrier barrier_id(%barrier3A_149)
    %run_scoped3A_150 = arith.constant 0 : i32
    "tpu.region"() ({
      %run_scoped3A_170 = tpu.sem_alloc : memref<!tpu.dma_semaphore, #tpu.memory_space<semaphore_mem>>
      %dma_start3A_171 = arith.constant 0 : i32
      %dma_start3A_172 = tpu.memref_slice %arg12[%dma_start3A_171] : memref<10000xf32, #tpu.memory_space<vmem>> -> memref<1000xf32, #tpu.memory_space<vmem>>
      %dma_start3A_173 = arith.constant 0 : i32
      %dma_start3A_174 = tpu.memref_slice %arg7[%run_scoped3A_150, %add3A, %dma_start3A_173] : memref<10x32x1000xf32, #tpu.memory_space<hbm>> -> memref<1x1x1000xf32, #tpu.memory_space<hbm>>
      %dma_start3A_175 = tpu.memref_squeeze %dma_start3A_174 : memref<1x1x1000xf32, #tpu.memory_space<hbm>> -> memref<1000xf32, #tpu.memory_space<hbm>>
      %dma_start3A_176 = arith.constant 0 : i32
      %dma_start3A_177 = tpu.memref_slice %arg7[%run_scoped3A_150, %add3A, %dma_start3A_176] : memref<10x32x1000xf32, #tpu.memory_space<hbm>> -> memref<1x1x1000xf32, #tpu.memory_space<hbm>>
      %dma_start3A_178 = tpu.memref_squeeze %dma_start3A_177 : memref<1x1x1000xf32, #tpu.memory_space<hbm>> -> memref<1000xf32, #tpu.memory_space<hbm>>
      %dma_start3A_179 = arith.constant 0 : i32
      %dma_start3A_180 = tpu.memref_slice %arg12[%dma_start3A_179] : memref<10000xf32, #tpu.memory_space<vmem>> -> memref<1000xf32, #tpu.memory_space<vmem>>
      tpu.enqueue_dma source(%dma_start3A_180 : memref<1000xf32, #tpu.memory_space<vmem>>) target(%dma_start3A_178 : memref<1000xf32, #tpu.memory_space<hbm>>) target_semaphore(%run_scoped3A_170 : memref<!tpu.dma_semaphore, #tpu.memory_space<semaphore_mem>>)
      %dma_wait3A_181 = arith.constant 0 : i32
      %dma_wait3A_182 = tpu.memref_slice %arg12[%dma_wait3A_181] : memref<10000xf32, #tpu.memory_space<vmem>> -> memref<1000xf32, #tpu.memory_space<vmem>>
      %dma_wait3A_183 = arith.constant 0 : i32
      %dma_wait3A_184 = tpu.memref_slice %arg7[%run_scoped3A_150, %add3A, %dma_wait3A_183] : memref<10x32x1000xf32, #tpu.memory_space<hbm>> -> memref<1x1x1000xf32, #tpu.memory_space<hbm>>
      %dma_wait3A_185 = tpu.memref_squeeze %dma_wait3A_184 : memref<1x1x1000xf32, #tpu.memory_space<hbm>> -> memref<1000xf32, #tpu.memory_space<hbm>>
      %dma_wait3A_186 = arith.constant 0 : i32
      %dma_wait3A_187 = tpu.memref_slice %arg7[%run_scoped3A_150, %add3A, %dma_wait3A_186] : memref<10x32x1000xf32, #tpu.memory_space<hbm>> -> memref<1x1x1000xf32, #tpu.memory_space<hbm>>
      %dma_wait3A_188 = tpu.memref_squeeze %dma_wait3A_187 : memref<1x1x1000xf32, #tpu.memory_space<hbm>> -> memref<1000xf32, #tpu.memory_space<hbm>>
      %dma_wait3A_189 = arith.constant 0 : i32
      %dma_wait3A_190 = tpu.memref_slice %arg12[%dma_wait3A_189] : memref<10000xf32, #tpu.memory_space<vmem>> -> memref<1000xf32, #tpu.memory_space<vmem>>
      tpu.wait_dma2 semaphore(%run_scoped3A_170 : memref<!tpu.dma_semaphore, #tpu.memory_space<semaphore_mem>>) src(%dma_wait3A_190 : memref<1000xf32, #tpu.memory_space<vmem>>) dst(%dma_wait3A_188 : memref<1000xf32, #tpu.memory_space<hbm>>)
      tpu.yield
    }) : () -> ()
    %run_scoped3A_151 = arith.constant 1 : i32
    "tpu.region"() ({
      %run_scoped3A_170 = tpu.sem_alloc : memref<!tpu.dma_semaphore, #tpu.memory_space<semaphore_mem>>
      %dma_start3A_171 = arith.constant 1000 : i32
      %dma_start3A_172 = tpu.memref_slice %arg12[%dma_start3A_171] : memref<10000xf32, #tpu.memory_space<vmem>> -> memref<1000xf32, #tpu.memory_space<vmem>>
      %dma_start3A_173 = arith.constant 0 : i32
      %dma_start3A_174 = tpu.memref_slice %arg7[%run_scoped3A_151, %add3A, %dma_start3A_173] : memref<10x32x1000xf32, #tpu.memory_space<hbm>> -> memref<1x1x1000xf32, #tpu.memory_space<hbm>>
      %dma_start3A_175 = tpu.memref_squeeze %dma_start3A_174 : memref<1x1x1000xf32, #tpu.memory_space<hbm>> -> memref<1000xf32, #tpu.memory_space<hbm>>
      %dma_start3A_176 = arith.constant 0 : i32
      %dma_start3A_177 = tpu.memref_slice %arg7[%run_scoped3A_151, %add3A, %dma_start3A_176] : memref<10x32x1000xf32, #tpu.memory_space<hbm>> -> memref<1x1x1000xf32, #tpu.memory_space<hbm>>
      %dma_start3A_178 = tpu.memref_squeeze %dma_start3A_177 : memref<1x1x1000xf32, #tpu.memory_space<hbm>> -> memref<1000xf32, #tpu.memory_space<hbm>>
      %dma_start3A_179 = arith.constant 1000 : i32
      %dma_start3A_180 = tpu.memref_slice %arg12[%dma_start3A_179] : memref<10000xf32, #tpu.memory_space<vmem>> -> memref<1000xf32, #tpu.memory_space<vmem>>
      tpu.enqueue_dma source(%dma_start3A_180 : memref<1000xf32, #tpu.memory_space<vmem>>) target(%dma_start3A_178 : memref<1000xf32, #tpu.memory_space<hbm>>) target_semaphore(%run_scoped3A_170 : memref<!tpu.dma_semaphore, #tpu.memory_space<semaphore_mem>>)
      %dma_wait3A_181 = arith.constant 1000 : i32
      %dma_wait3A_182 = tpu.memref_slice %arg12[%dma_wait3A_181] : memref<10000xf32, #tpu.memory_space<vmem>> -> memref<1000xf32, #tpu.memory_space<vmem>>
      %dma_wait3A_183 = arith.constant 0 : i32
      %dma_wait3A_184 = tpu.memref_slice %arg7[%run_scoped3A_151, %add3A, %dma_wait3A_183] : memref<10x32x1000xf32, #tpu.memory_space<hbm>> -> memref<1x1x1000xf32, #tpu.memory_space<hbm>>
      %dma_wait3A_185 = tpu.memref_squeeze %dma_wait3A_184 : memref<1x1x1000xf32, #tpu.memory_space<hbm>> -> memref<1000xf32, #tpu.memory_space<hbm>>
      %dma_wait3A_186 = arith.constant 0 : i32
      %dma_wait3A_187 = tpu.memref_slice %arg7[%run_scoped3A_151, %add3A, %dma_wait3A_186] : memref<10x32x1000xf32, #tpu.memory_space<hbm>> -> memref<1x1x1000xf32, #tpu.memory_space<hbm>>
      %dma_wait3A_188 = tpu.memref_squeeze %dma_wait3A_187 : memref<1x1x1000xf32, #tpu.memory_space<hbm>> -> memref<1000xf32, #tpu.memory_space<hbm>>
      %dma_wait3A_189 = arith.constant 1000 : i32
      %dma_wait3A_190 = tpu.memref_slice %arg12[%dma_wait3A_189] : memref<10000xf32, #tpu.memory_space<vmem>> -> memref<1000xf32, #tpu.memory_space<vmem>>
      tpu.wait_dma2 semaphore(%run_scoped3A_170 : memref<!tpu.dma_semaphore, #tpu.memory_space<semaphore_mem>>) src(%dma_wait3A_190 : memref<1000xf32, #tpu.memory_space<vmem>>) dst(%dma_wait3A_188 : memref<1000xf32, #tpu.memory_space<hbm>>)
      tpu.yield
    }) : () -> ()
    %run_scoped3A_152 = arith.constant 2 : i32
    "tpu.region"() ({
      %run_scoped3A_170 = tpu.sem_alloc : memref<!tpu.dma_semaphore, #tpu.memory_space<semaphore_mem>>
      %dma_start3A_171 = arith.constant 2000 : i32
      %dma_start3A_172 = tpu.memref_slice %arg12[%dma_start3A_171] : memref<10000xf32, #tpu.memory_space<vmem>> -> memref<1000xf32, #tpu.memory_space<vmem>>
      %dma_start3A_173 = arith.constant 0 : i32
      %dma_start3A_174 = tpu.memref_slice %arg7[%run_scoped3A_152, %add3A, %dma_start3A_173] : memref<10x32x1000xf32, #tpu.memory_space<hbm>> -> memref<1x1x1000xf32, #tpu.memory_space<hbm>>
      %dma_start3A_175 = tpu.memref_squeeze %dma_start3A_174 : memref<1x1x1000xf32, #tpu.memory_space<hbm>> -> memref<1000xf32, #tpu.memory_space<hbm>>
      %dma_start3A_176 = arith.constant 0 : i32
      %dma_start3A_177 = tpu.memref_slice %arg7[%run_scoped3A_152, %add3A, %dma_start3A_176] : memref<10x32x1000xf32, #tpu.memory_space<hbm>> -> memref<1x1x1000xf32, #tpu.memory_space<hbm>>
      %dma_start3A_178 = tpu.memref_squeeze %dma_start3A_177 : memref<1x1x1000xf32, #tpu.memory_space<hbm>> -> memref<1000xf32, #tpu.memory_space<hbm>>
      %dma_start3A_179 = arith.constant 2000 : i32
      %dma_start3A_180 = tpu.memref_slice %arg12[%dma_start3A_179] : memref<10000xf32, #tpu.memory_space<vmem>> -> memref<1000xf32, #tpu.memory_space<vmem>>
      tpu.enqueue_dma source(%dma_start3A_180 : memref<1000xf32, #tpu.memory_space<vmem>>) target(%dma_start3A_178 : memref<1000xf32, #tpu.memory_space<hbm>>) target_semaphore(%run_scoped3A_170 : memref<!tpu.dma_semaphore, #tpu.memory_space<semaphore_mem>>)
      %dma_wait3A_181 = arith.constant 2000 : i32
      %dma_wait3A_182 = tpu.memref_slice %arg12[%dma_wait3A_181] : memref<10000xf32, #tpu.memory_space<vmem>> -> memref<1000xf32, #tpu.memory_space<vmem>>
      %dma_wait3A_183 = arith.constant 0 : i32
      %dma_wait3A_184 = tpu.memref_slice %arg7[%run_scoped3A_152, %add3A, %dma_wait3A_183] : memref<10x32x1000xf32, #tpu.memory_space<hbm>> -> memref<1x1x1000xf32, #tpu.memory_space<hbm>>
      %dma_wait3A_185 = tpu.memref_squeeze %dma_wait3A_184 : memref<1x1x1000xf32, #tpu.memory_space<hbm>> -> memref<1000xf32, #tpu.memory_space<hbm>>
      %dma_wait3A_186 = arith.constant 0 : i32
      %dma_wait3A_187 = tpu.memref_slice %arg7[%run_scoped3A_152, %add3A, %dma_wait3A_186] : memref<10x32x1000xf32, #tpu.memory_space<hbm>> -> memref<1x1x1000xf32, #tpu.memory_space<hbm>>
      %dma_wait3A_188 = tpu.memref_squeeze %dma_wait3A_187 : memref<1x1x1000xf32, #tpu.memory_space<hbm>> -> memref<1000xf32, #tpu.memory_space<hbm>>
      %dma_wait3A_189 = arith.constant 2000 : i32
      %dma_wait3A_190 = tpu.memref_slice %arg12[%dma_wait3A_189] : memref<10000xf32, #tpu.memory_space<vmem>> -> memref<1000xf32, #tpu.memory_space<vmem>>
      tpu.wait_dma2 semaphore(%run_scoped3A_170 : memref<!tpu.dma_semaphore, #tpu.memory_space<semaphore_mem>>) src(%dma_wait3A_190 : memref<1000xf32, #tpu.memory_space<vmem>>) dst(%dma_wait3A_188 : memref<1000xf32, #tpu.memory_space<hbm>>)
      tpu.yield
    }) : () -> ()
    %run_scoped3A_153 = arith.constant 3 : i32
    "tpu.region"() ({
      %run_scoped3A_170 = tpu.sem_alloc : memref<!tpu.dma_semaphore, #tpu.memory_space<semaphore_mem>>
      %dma_start3A_171 = arith.constant 3000 : i32
      %dma_start3A_172 = tpu.memref_slice %arg12[%dma_start3A_171] : memref<10000xf32, #tpu.memory_space<vmem>> -> memref<1000xf32, #tpu.memory_space<vmem>>
      %dma_start3A_173 = arith.constant 0 : i32
      %dma_start3A_174 = tpu.memref_slice %arg7[%run_scoped3A_153, %add3A, %dma_start3A_173] : memref<10x32x1000xf32, #tpu.memory_space<hbm>> -> memref<1x1x1000xf32, #tpu.memory_space<hbm>>
      %dma_start3A_175 = tpu.memref_squeeze %dma_start3A_174 : memref<1x1x1000xf32, #tpu.memory_space<hbm>> -> memref<1000xf32, #tpu.memory_space<hbm>>
      %dma_start3A_176 = arith.constant 0 : i32
      %dma_start3A_177 = tpu.memref_slice %arg7[%run_scoped3A_153, %add3A, %dma_start3A_176] : memref<10x32x1000xf32, #tpu.memory_space<hbm>> -> memref<1x1x1000xf32, #tpu.memory_space<hbm>>
      %dma_start3A_178 = tpu.memref_squeeze %dma_start3A_177 : memref<1x1x1000xf32, #tpu.memory_space<hbm>> -> memref<1000xf32, #tpu.memory_space<hbm>>
      %dma_start3A_179 = arith.constant 3000 : i32
      %dma_start3A_180 = tpu.memref_slice %arg12[%dma_start3A_179] : memref<10000xf32, #tpu.memory_space<vmem>> -> memref<1000xf32, #tpu.memory_space<vmem>>
      tpu.enqueue_dma source(%dma_start3A_180 : memref<1000xf32, #tpu.memory_space<vmem>>) target(%dma_start3A_178 : memref<1000xf32, #tpu.memory_space<hbm>>) target_semaphore(%run_scoped3A_170 : memref<!tpu.dma_semaphore, #tpu.memory_space<semaphore_mem>>)
      %dma_wait3A_181 = arith.constant 3000 : i32
      %dma_wait3A_182 = tpu.memref_slice %arg12[%dma_wait3A_181] : memref<10000xf32, #tpu.memory_space<vmem>> -> memref<1000xf32, #tpu.memory_space<vmem>>
      %dma_wait3A_183 = arith.constant 0 : i32
      %dma_wait3A_184 = tpu.memref_slice %arg7[%run_scoped3A_153, %add3A, %dma_wait3A_183] : memref<10x32x1000xf32, #tpu.memory_space<hbm>> -> memref<1x1x1000xf32, #tpu.memory_space<hbm>>
      %dma_wait3A_185 = tpu.memref_squeeze %dma_wait3A_184 : memref<1x1x1000xf32, #tpu.memory_space<hbm>> -> memref<1000xf32, #tpu.memory_space<hbm>>
      %dma_wait3A_186 = arith.constant 0 : i32
      %dma_wait3A_187 = tpu.memref_slice %arg7[%run_scoped3A_153, %add3A, %dma_wait3A_186] : memref<10x32x1000xf32, #tpu.memory_space<hbm>> -> memref<1x1x1000xf32, #tpu.memory_space<hbm>>
      %dma_wait3A_188 = tpu.memref_squeeze %dma_wait3A_187 : memref<1x1x1000xf32, #tpu.memory_space<hbm>> -> memref<1000xf32, #tpu.memory_space<hbm>>
      %dma_wait3A_189 = arith.constant 3000 : i32
      %dma_wait3A_190 = tpu.memref_slice %arg12[%dma_wait3A_189] : memref<10000xf32, #tpu.memory_space<vmem>> -> memref<1000xf32, #tpu.memory_space<vmem>>
      tpu.wait_dma2 semaphore(%run_scoped3A_170 : memref<!tpu.dma_semaphore, #tpu.memory_space<semaphore_mem>>) src(%dma_wait3A_190 : memref<1000xf32, #tpu.memory_space<vmem>>) dst(%dma_wait3A_188 : memref<1000xf32, #tpu.memory_space<hbm>>)
      tpu.yield
    }) : () -> ()
    %run_scoped3A_154 = arith.constant 4 : i32
    "tpu.region"() ({
      %run_scoped3A_170 = tpu.sem_alloc : memref<!tpu.dma_semaphore, #tpu.memory_space<semaphore_mem>>
      %dma_start3A_171 = arith.constant 4000 : i32
      %dma_start3A_172 = tpu.memref_slice %arg12[%dma_start3A_171] : memref<10000xf32, #tpu.memory_space<vmem>> -> memref<1000xf32, #tpu.memory_space<vmem>>
      %dma_start3A_173 = arith.constant 0 : i32
      %dma_start3A_174 = tpu.memref_slice %arg7[%run_scoped3A_154, %add3A, %dma_start3A_173] : memref<10x32x1000xf32, #tpu.memory_space<hbm>> -> memref<1x1x1000xf32, #tpu.memory_space<hbm>>
      %dma_start3A_175 = tpu.memref_squeeze %dma_start3A_174 : memref<1x1x1000xf32, #tpu.memory_space<hbm>> -> memref<1000xf32, #tpu.memory_space<hbm>>
      %dma_start3A_176 = arith.constant 0 : i32
      %dma_start3A_177 = tpu.memref_slice %arg7[%run_scoped3A_154, %add3A, %dma_start3A_176] : memref<10x32x1000xf32, #tpu.memory_space<hbm>> -> memref<1x1x1000xf32, #tpu.memory_space<hbm>>
      %dma_start3A_178 = tpu.memref_squeeze %dma_start3A_177 : memref<1x1x1000xf32, #tpu.memory_space<hbm>> -> memref<1000xf32, #tpu.memory_space<hbm>>
      %dma_start3A_179 = arith.constant 4000 : i32
      %dma_start3A_180 = tpu.memref_slice %arg12[%dma_start3A_179] : memref<10000xf32, #tpu.memory_space<vmem>> -> memref<1000xf32, #tpu.memory_space<vmem>>
      tpu.enqueue_dma source(%dma_start3A_180 : memref<1000xf32, #tpu.memory_space<vmem>>) target(%dma_start3A_178 : memref<1000xf32, #tpu.memory_space<hbm>>) target_semaphore(%run_scoped3A_170 : memref<!tpu.dma_semaphore, #tpu.memory_space<semaphore_mem>>)
      %dma_wait3A_181 = arith.constant 4000 : i32
      %dma_wait3A_182 = tpu.memref_slice %arg12[%dma_wait3A_181] : memref<10000xf32, #tpu.memory_space<vmem>> -> memref<1000xf32, #tpu.memory_space<vmem>>
      %dma_wait3A_183 = arith.constant 0 : i32
      %dma_wait3A_184 = tpu.memref_slice %arg7[%run_scoped3A_154, %add3A, %dma_wait3A_183] : memref<10x32x1000xf32, #tpu.memory_space<hbm>> -> memref<1x1x1000xf32, #tpu.memory_space<hbm>>
      %dma_wait3A_185 = tpu.memref_squeeze %dma_wait3A_184 : memref<1x1x1000xf32, #tpu.memory_space<hbm>> -> memref<1000xf32, #tpu.memory_space<hbm>>
      %dma_wait3A_186 = arith.constant 0 : i32
      %dma_wait3A_187 = tpu.memref_slice %arg7[%run_scoped3A_154, %add3A, %dma_wait3A_186] : memref<10x32x1000xf32, #tpu.memory_space<hbm>> -> memref<1x1x1000xf32, #tpu.memory_space<hbm>>
      %dma_wait3A_188 = tpu.memref_squeeze %dma_wait3A_187 : memref<1x1x1000xf32, #tpu.memory_space<hbm>> -> memref<1000xf32, #tpu.memory_space<hbm>>
      %dma_wait3A_189 = arith.constant 4000 : i32
      %dma_wait3A_190 = tpu.memref_slice %arg12[%dma_wait3A_189] : memref<10000xf32, #tpu.memory_space<vmem>> -> memref<1000xf32, #tpu.memory_space<vmem>>
      tpu.wait_dma2 semaphore(%run_scoped3A_170 : memref<!tpu.dma_semaphore, #tpu.memory_space<semaphore_mem>>) src(%dma_wait3A_190 : memref<1000xf32, #tpu.memory_space<vmem>>) dst(%dma_wait3A_188 : memref<1000xf32, #tpu.memory_space<hbm>>)
      tpu.yield
    }) : () -> ()
    %run_scoped3A_155 = arith.constant 5 : i32
    "tpu.region"() ({
      %run_scoped3A_170 = tpu.sem_alloc : memref<!tpu.dma_semaphore, #tpu.memory_space<semaphore_mem>>
      %dma_start3A_171 = arith.constant 5000 : i32
      %dma_start3A_172 = tpu.memref_slice %arg12[%dma_start3A_171] : memref<10000xf32, #tpu.memory_space<vmem>> -> memref<1000xf32, #tpu.memory_space<vmem>>
      %dma_start3A_173 = arith.constant 0 : i32
      %dma_start3A_174 = tpu.memref_slice %arg7[%run_scoped3A_155, %add3A, %dma_start3A_173] : memref<10x32x1000xf32, #tpu.memory_space<hbm>> -> memref<1x1x1000xf32, #tpu.memory_space<hbm>>
      %dma_start3A_175 = tpu.memref_squeeze %dma_start3A_174 : memref<1x1x1000xf32, #tpu.memory_space<hbm>> -> memref<1000xf32, #tpu.memory_space<hbm>>
      %dma_start3A_176 = arith.constant 0 : i32
      %dma_start3A_177 = tpu.memref_slice %arg7[%run_scoped3A_155, %add3A, %dma_start3A_176] : memref<10x32x1000xf32, #tpu.memory_space<hbm>> -> memref<1x1x1000xf32, #tpu.memory_space<hbm>>
      %dma_start3A_178 = tpu.memref_squeeze %dma_start3A_177 : memref<1x1x1000xf32, #tpu.memory_space<hbm>> -> memref<1000xf32, #tpu.memory_space<hbm>>
      %dma_start3A_179 = arith.constant 5000 : i32
      %dma_start3A_180 = tpu.memref_slice %arg12[%dma_start3A_179] : memref<10000xf32, #tpu.memory_space<vmem>> -> memref<1000xf32, #tpu.memory_space<vmem>>
      tpu.enqueue_dma source(%dma_start3A_180 : memref<1000xf32, #tpu.memory_space<vmem>>) target(%dma_start3A_178 : memref<1000xf32, #tpu.memory_space<hbm>>) target_semaphore(%run_scoped3A_170 : memref<!tpu.dma_semaphore, #tpu.memory_space<semaphore_mem>>)
      %dma_wait3A_181 = arith.constant 5000 : i32
      %dma_wait3A_182 = tpu.memref_slice %arg12[%dma_wait3A_181] : memref<10000xf32, #tpu.memory_space<vmem>> -> memref<1000xf32, #tpu.memory_space<vmem>>
      %dma_wait3A_183 = arith.constant 0 : i32
      %dma_wait3A_184 = tpu.memref_slice %arg7[%run_scoped3A_155, %add3A, %dma_wait3A_183] : memref<10x32x1000xf32, #tpu.memory_space<hbm>> -> memref<1x1x1000xf32, #tpu.memory_space<hbm>>
      %dma_wait3A_185 = tpu.memref_squeeze %dma_wait3A_184 : memref<1x1x1000xf32, #tpu.memory_space<hbm>> -> memref<1000xf32, #tpu.memory_space<hbm>>
      %dma_wait3A_186 = arith.constant 0 : i32
      %dma_wait3A_187 = tpu.memref_slice %arg7[%run_scoped3A_155, %add3A, %dma_wait3A_186] : memref<10x32x1000xf32, #tpu.memory_space<hbm>> -> memref<1x1x1000xf32, #tpu.memory_space<hbm>>
      %dma_wait3A_188 = tpu.memref_squeeze %dma_wait3A_187 : memref<1x1x1000xf32, #tpu.memory_space<hbm>> -> memref<1000xf32, #tpu.memory_space<hbm>>
      %dma_wait3A_189 = arith.constant 5000 : i32
      %dma_wait3A_190 = tpu.memref_slice %arg12[%dma_wait3A_189] : memref<10000xf32, #tpu.memory_space<vmem>> -> memref<1000xf32, #tpu.memory_space<vmem>>
      tpu.wait_dma2 semaphore(%run_scoped3A_170 : memref<!tpu.dma_semaphore, #tpu.memory_space<semaphore_mem>>) src(%dma_wait3A_190 : memref<1000xf32, #tpu.memory_space<vmem>>) dst(%dma_wait3A_188 : memref<1000xf32, #tpu.memory_space<hbm>>)
      tpu.yield
    }) : () -> ()
    %run_scoped3A_156 = arith.constant 6 : i32
    "tpu.region"() ({
      %run_scoped3A_170 = tpu.sem_alloc : memref<!tpu.dma_semaphore, #tpu.memory_space<semaphore_mem>>
      %dma_start3A_171 = arith.constant 6000 : i32
      %dma_start3A_172 = tpu.memref_slice %arg12[%dma_start3A_171] : memref<10000xf32, #tpu.memory_space<vmem>> -> memref<1000xf32, #tpu.memory_space<vmem>>
      %dma_start3A_173 = arith.constant 0 : i32
      %dma_start3A_174 = tpu.memref_slice %arg7[%run_scoped3A_156, %add3A, %dma_start3A_173] : memref<10x32x1000xf32, #tpu.memory_space<hbm>> -> memref<1x1x1000xf32, #tpu.memory_space<hbm>>
      %dma_start3A_175 = tpu.memref_squeeze %dma_start3A_174 : memref<1x1x1000xf32, #tpu.memory_space<hbm>> -> memref<1000xf32, #tpu.memory_space<hbm>>
      %dma_start3A_176 = arith.constant 0 : i32
      %dma_start3A_177 = tpu.memref_slice %arg7[%run_scoped3A_156, %add3A, %dma_start3A_176] : memref<10x32x1000xf32, #tpu.memory_space<hbm>> -> memref<1x1x1000xf32, #tpu.memory_space<hbm>>
      %dma_start3A_178 = tpu.memref_squeeze %dma_start3A_177 : memref<1x1x1000xf32, #tpu.memory_space<hbm>> -> memref<1000xf32, #tpu.memory_space<hbm>>
      %dma_start3A_179 = arith.constant 6000 : i32
      %dma_start3A_180 = tpu.memref_slice %arg12[%dma_start3A_179] : memref<10000xf32, #tpu.memory_space<vmem>> -> memref<1000xf32, #tpu.memory_space<vmem>>
      tpu.enqueue_dma source(%dma_start3A_180 : memref<1000xf32, #tpu.memory_space<vmem>>) target(%dma_start3A_178 : memref<1000xf32, #tpu.memory_space<hbm>>) target_semaphore(%run_scoped3A_170 : memref<!tpu.dma_semaphore, #tpu.memory_space<semaphore_mem>>)
      %dma_wait3A_181 = arith.constant 6000 : i32
      %dma_wait3A_182 = tpu.memref_slice %arg12[%dma_wait3A_181] : memref<10000xf32, #tpu.memory_space<vmem>> -> memref<1000xf32, #tpu.memory_space<vmem>>
      %dma_wait3A_183 = arith.constant 0 : i32
      %dma_wait3A_184 = tpu.memref_slice %arg7[%run_scoped3A_156, %add3A, %dma_wait3A_183] : memref<10x32x1000xf32, #tpu.memory_space<hbm>> -> memref<1x1x1000xf32, #tpu.memory_space<hbm>>
      %dma_wait3A_185 = tpu.memref_squeeze %dma_wait3A_184 : memref<1x1x1000xf32, #tpu.memory_space<hbm>> -> memref<1000xf32, #tpu.memory_space<hbm>>
      %dma_wait3A_186 = arith.constant 0 : i32
      %dma_wait3A_187 = tpu.memref_slice %arg7[%run_scoped3A_156, %add3A, %dma_wait3A_186] : memref<10x32x1000xf32, #tpu.memory_space<hbm>> -> memref<1x1x1000xf32, #tpu.memory_space<hbm>>
      %dma_wait3A_188 = tpu.memref_squeeze %dma_wait3A_187 : memref<1x1x1000xf32, #tpu.memory_space<hbm>> -> memref<1000xf32, #tpu.memory_space<hbm>>
      %dma_wait3A_189 = arith.constant 6000 : i32
      %dma_wait3A_190 = tpu.memref_slice %arg12[%dma_wait3A_189] : memref<10000xf32, #tpu.memory_space<vmem>> -> memref<1000xf32, #tpu.memory_space<vmem>>
      tpu.wait_dma2 semaphore(%run_scoped3A_170 : memref<!tpu.dma_semaphore, #tpu.memory_space<semaphore_mem>>) src(%dma_wait3A_190 : memref<1000xf32, #tpu.memory_space<vmem>>) dst(%dma_wait3A_188 : memref<1000xf32, #tpu.memory_space<hbm>>)
      tpu.yield
    }) : () -> ()
    %run_scoped3A_157 = arith.constant 7 : i32
    "tpu.region"() ({
      %run_scoped3A_170 = tpu.sem_alloc : memref<!tpu.dma_semaphore, #tpu.memory_space<semaphore_mem>>
      %dma_start3A_171 = arith.constant 7000 : i32
      %dma_start3A_172 = tpu.memref_slice %arg12[%dma_start3A_171] : memref<10000xf32, #tpu.memory_space<vmem>> -> memref<1000xf32, #tpu.memory_space<vmem>>
      %dma_start3A_173 = arith.constant 0 : i32
      %dma_start3A_174 = tpu.memref_slice %arg7[%run_scoped3A_157, %add3A, %dma_start3A_173] : memref<10x32x1000xf32, #tpu.memory_space<hbm>> -> memref<1x1x1000xf32, #tpu.memory_space<hbm>>
      %dma_start3A_175 = tpu.memref_squeeze %dma_start3A_174 : memref<1x1x1000xf32, #tpu.memory_space<hbm>> -> memref<1000xf32, #tpu.memory_space<hbm>>
      %dma_start3A_176 = arith.constant 0 : i32
      %dma_start3A_177 = tpu.memref_slice %arg7[%run_scoped3A_157, %add3A, %dma_start3A_176] : memref<10x32x1000xf32, #tpu.memory_space<hbm>> -> memref<1x1x1000xf32, #tpu.memory_space<hbm>>
      %dma_start3A_178 = tpu.memref_squeeze %dma_start3A_177 : memref<1x1x1000xf32, #tpu.memory_space<hbm>> -> memref<1000xf32, #tpu.memory_space<hbm>>
      %dma_start3A_179 = arith.constant 7000 : i32
      %dma_start3A_180 = tpu.memref_slice %arg12[%dma_start3A_179] : memref<10000xf32, #tpu.memory_space<vmem>> -> memref<1000xf32, #tpu.memory_space<vmem>>
      tpu.enqueue_dma source(%dma_start3A_180 : memref<1000xf32, #tpu.memory_space<vmem>>) target(%dma_start3A_178 : memref<1000xf32, #tpu.memory_space<hbm>>) target_semaphore(%run_scoped3A_170 : memref<!tpu.dma_semaphore, #tpu.memory_space<semaphore_mem>>)
      %dma_wait3A_181 = arith.constant 7000 : i32
      %dma_wait3A_182 = tpu.memref_slice %arg12[%dma_wait3A_181] : memref<10000xf32, #tpu.memory_space<vmem>> -> memref<1000xf32, #tpu.memory_space<vmem>>
      %dma_wait3A_183 = arith.constant 0 : i32
      %dma_wait3A_184 = tpu.memref_slice %arg7[%run_scoped3A_157, %add3A, %dma_wait3A_183] : memref<10x32x1000xf32, #tpu.memory_space<hbm>> -> memref<1x1x1000xf32, #tpu.memory_space<hbm>>
      %dma_wait3A_185 = tpu.memref_squeeze %dma_wait3A_184 : memref<1x1x1000xf32, #tpu.memory_space<hbm>> -> memref<1000xf32, #tpu.memory_space<hbm>>
      %dma_wait3A_186 = arith.constant 0 : i32
      %dma_wait3A_187 = tpu.memref_slice %arg7[%run_scoped3A_157, %add3A, %dma_wait3A_186] : memref<10x32x1000xf32, #tpu.memory_space<hbm>> -> memref<1x1x1000xf32, #tpu.memory_space<hbm>>
      %dma_wait3A_188 = tpu.memref_squeeze %dma_wait3A_187 : memref<1x1x1000xf32, #tpu.memory_space<hbm>> -> memref<1000xf32, #tpu.memory_space<hbm>>
      %dma_wait3A_189 = arith.constant 7000 : i32
      %dma_wait3A_190 = tpu.memref_slice %arg12[%dma_wait3A_189] : memref<10000xf32, #tpu.memory_space<vmem>> -> memref<1000xf32, #tpu.memory_space<vmem>>
      tpu.wait_dma2 semaphore(%run_scoped3A_170 : memref<!tpu.dma_semaphore, #tpu.memory_space<semaphore_mem>>) src(%dma_wait3A_190 : memref<1000xf32, #tpu.memory_space<vmem>>) dst(%dma_wait3A_188 : memref<1000xf32, #tpu.memory_space<hbm>>)
      tpu.yield
    }) : () -> ()
    %run_scoped3A_158 = arith.constant 8 : i32
    "tpu.region"() ({
      %run_scoped3A_170 = tpu.sem_alloc : memref<!tpu.dma_semaphore, #tpu.memory_space<semaphore_mem>>
      %dma_start3A_171 = arith.constant 8000 : i32
      %dma_start3A_172 = tpu.memref_slice %arg12[%dma_start3A_171] : memref<10000xf32, #tpu.memory_space<vmem>> -> memref<1000xf32, #tpu.memory_space<vmem>>
      %dma_start3A_173 = arith.constant 0 : i32
      %dma_start3A_174 = tpu.memref_slice %arg7[%run_scoped3A_158, %add3A, %dma_start3A_173] : memref<10x32x1000xf32, #tpu.memory_space<hbm>> -> memref<1x1x1000xf32, #tpu.memory_space<hbm>>
      %dma_start3A_175 = tpu.memref_squeeze %dma_start3A_174 : memref<1x1x1000xf32, #tpu.memory_space<hbm>> -> memref<1000xf32, #tpu.memory_space<hbm>>
      %dma_start3A_176 = arith.constant 0 : i32
      %dma_start3A_177 = tpu.memref_slice %arg7[%run_scoped3A_158, %add3A, %dma_start3A_176] : memref<10x32x1000xf32, #tpu.memory_space<hbm>> -> memref<1x1x1000xf32, #tpu.memory_space<hbm>>
      %dma_start3A_178 = tpu.memref_squeeze %dma_start3A_177 : memref<1x1x1000xf32, #tpu.memory_space<hbm>> -> memref<1000xf32, #tpu.memory_space<hbm>>
      %dma_start3A_179 = arith.constant 8000 : i32
      %dma_start3A_180 = tpu.memref_slice %arg12[%dma_start3A_179] : memref<10000xf32, #tpu.memory_space<vmem>> -> memref<1000xf32, #tpu.memory_space<vmem>>
      tpu.enqueue_dma source(%dma_start3A_180 : memref<1000xf32, #tpu.memory_space<vmem>>) target(%dma_start3A_178 : memref<1000xf32, #tpu.memory_space<hbm>>) target_semaphore(%run_scoped3A_170 : memref<!tpu.dma_semaphore, #tpu.memory_space<semaphore_mem>>)
      %dma_wait3A_181 = arith.constant 8000 : i32
      %dma_wait3A_182 = tpu.memref_slice %arg12[%dma_wait3A_181] : memref<10000xf32, #tpu.memory_space<vmem>> -> memref<1000xf32, #tpu.memory_space<vmem>>
      %dma_wait3A_183 = arith.constant 0 : i32
      %dma_wait3A_184 = tpu.memref_slice %arg7[%run_scoped3A_158, %add3A, %dma_wait3A_183] : memref<10x32x1000xf32, #tpu.memory_space<hbm>> -> memref<1x1x1000xf32, #tpu.memory_space<hbm>>
      %dma_wait3A_185 = tpu.memref_squeeze %dma_wait3A_184 : memref<1x1x1000xf32, #tpu.memory_space<hbm>> -> memref<1000xf32, #tpu.memory_space<hbm>>
      %dma_wait3A_186 = arith.constant 0 : i32
      %dma_wait3A_187 = tpu.memref_slice %arg7[%run_scoped3A_158, %add3A, %dma_wait3A_186] : memref<10x32x1000xf32, #tpu.memory_space<hbm>> -> memref<1x1x1000xf32, #tpu.memory_space<hbm>>
      %dma_wait3A_188 = tpu.memref_squeeze %dma_wait3A_187 : memref<1x1x1000xf32, #tpu.memory_space<hbm>> -> memref<1000xf32, #tpu.memory_space<hbm>>
      %dma_wait3A_189 = arith.constant 8000 : i32
      %dma_wait3A_190 = tpu.memref_slice %arg12[%dma_wait3A_189] : memref<10000xf32, #tpu.memory_space<vmem>> -> memref<1000xf32, #tpu.memory_space<vmem>>
      tpu.wait_dma2 semaphore(%run_scoped3A_170 : memref<!tpu.dma_semaphore, #tpu.memory_space<semaphore_mem>>) src(%dma_wait3A_190 : memref<1000xf32, #tpu.memory_space<vmem>>) dst(%dma_wait3A_188 : memref<1000xf32, #tpu.memory_space<hbm>>)
      tpu.yield
    }) : () -> ()
    %run_scoped3A_159 = arith.constant 9 : i32
    "tpu.region"() ({
      %run_scoped3A_170 = tpu.sem_alloc : memref<!tpu.dma_semaphore, #tpu.memory_space<semaphore_mem>>
      %dma_start3A_171 = arith.constant 9000 : i32
      %dma_start3A_172 = tpu.memref_slice %arg12[%dma_start3A_171] : memref<10000xf32, #tpu.memory_space<vmem>> -> memref<1000xf32, #tpu.memory_space<vmem>>
      %dma_start3A_173 = arith.constant 0 : i32
      %dma_start3A_174 = tpu.memref_slice %arg7[%run_scoped3A_159, %add3A, %dma_start3A_173] : memref<10x32x1000xf32, #tpu.memory_space<hbm>> -> memref<1x1x1000xf32, #tpu.memory_space<hbm>>
      %dma_start3A_175 = tpu.memref_squeeze %dma_start3A_174 : memref<1x1x1000xf32, #tpu.memory_space<hbm>> -> memref<1000xf32, #tpu.memory_space<hbm>>
      %dma_start3A_176 = arith.constant 0 : i32
      %dma_start3A_177 = tpu.memref_slice %arg7[%run_scoped3A_159, %add3A, %dma_start3A_176] : memref<10x32x1000xf32, #tpu.memory_space<hbm>> -> memref<1x1x1000xf32, #tpu.memory_space<hbm>>
      %dma_start3A_178 = tpu.memref_squeeze %dma_start3A_177 : memref<1x1x1000xf32, #tpu.memory_space<hbm>> -> memref<1000xf32, #tpu.memory_space<hbm>>
      %dma_start3A_179 = arith.constant 9000 : i32
      %dma_start3A_180 = tpu.memref_slice %arg12[%dma_start3A_179] : memref<10000xf32, #tpu.memory_space<vmem>> -> memref<1000xf32, #tpu.memory_space<vmem>>
      tpu.enqueue_dma source(%dma_start3A_180 : memref<1000xf32, #tpu.memory_space<vmem>>) target(%dma_start3A_178 : memref<1000xf32, #tpu.memory_space<hbm>>) target_semaphore(%run_scoped3A_170 : memref<!tpu.dma_semaphore, #tpu.memory_space<semaphore_mem>>)
      %dma_wait3A_181 = arith.constant 9000 : i32
      %dma_wait3A_182 = tpu.memref_slice %arg12[%dma_wait3A_181] : memref<10000xf32, #tpu.memory_space<vmem>> -> memref<1000xf32, #tpu.memory_space<vmem>>
      %dma_wait3A_183 = arith.constant 0 : i32
      %dma_wait3A_184 = tpu.memref_slice %arg7[%run_scoped3A_159, %add3A, %dma_wait3A_183] : memref<10x32x1000xf32, #tpu.memory_space<hbm>> -> memref<1x1x1000xf32, #tpu.memory_space<hbm>>
      %dma_wait3A_185 = tpu.memref_squeeze %dma_wait3A_184 : memref<1x1x1000xf32, #tpu.memory_space<hbm>> -> memref<1000xf32, #tpu.memory_space<hbm>>
      %dma_wait3A_186 = arith.constant 0 : i32
      %dma_wait3A_187 = tpu.memref_slice %arg7[%run_scoped3A_159, %add3A, %dma_wait3A_186] : memref<10x32x1000xf32, #tpu.memory_space<hbm>> -> memref<1x1x1000xf32, #tpu.memory_space<hbm>>
      %dma_wait3A_188 = tpu.memref_squeeze %dma_wait3A_187 : memref<1x1x1000xf32, #tpu.memory_space<hbm>> -> memref<1000xf32, #tpu.memory_space<hbm>>
      %dma_wait3A_189 = arith.constant 9000 : i32
      %dma_wait3A_190 = tpu.memref_slice %arg12[%dma_wait3A_189] : memref<10000xf32, #tpu.memory_space<vmem>> -> memref<1000xf32, #tpu.memory_space<vmem>>
      tpu.wait_dma2 semaphore(%run_scoped3A_170 : memref<!tpu.dma_semaphore, #tpu.memory_space<semaphore_mem>>) src(%dma_wait3A_190 : memref<1000xf32, #tpu.memory_space<vmem>>) dst(%dma_wait3A_188 : memref<1000xf32, #tpu.memory_space<hbm>>)
      tpu.yield
    }) : () -> ()
    %lt3A_160 = arith.constant 15 : i32
    %lt3A_161 = arith.cmpi slt, %arg1, %lt3A_160 : i32
    %convert_element_type3A_162 = arith.extui %lt3A_161 : i1 to i32
    %cond3A_163 = arith.constant 0 : i32
    %cond3A_164 = arith.cmpi ne, %convert_element_type3A_162, %cond3A_163 : i32
    scf.if %cond3A_164 {
      %mul3A_170 = arith.constant 624 : i32
      %mul3A_171 = arith.muli %arg1, %mul3A_170 : i32
      %mul3A_172 = arith.constant 10000 : i32
      %mul3A_173 = arith.muli %arg0, %mul3A_172 : i32
      %mul3A_174 = arith.constant 624 : i32
      %mul3A_175 = arith.muli %arg1, %mul3A_174 : i32
      %add3A_176 = arith.addi %mul3A_173, %mul3A_175 : i32
      "tpu.region"() ({
        %run_scoped3A_177 = tpu.sem_alloc : memref<!tpu.dma_semaphore, #tpu.memory_space<semaphore_mem>>
        %dma_start3A_178 = arith.constant 0 : i32
        %dma_start3A_179 = tpu.memref_slice %arg6[%add3A_176, %dma_start3A_178] : memref<20000x128xf32, #tpu.memory_space<hbm>> -> memref<624x128xf32, #tpu.memory_space<hbm>>
        %dma_start3A_180 = arith.constant 0 : i32
        %dma_start3A_181 = tpu.memref_slice %arg13[%mul3A_171, %dma_start3A_180] : memref<10000x128xf32, #tpu.memory_space<vmem_shared>> -> memref<624x128xf32, #tpu.memory_space<vmem_shared>>
        tpu.enqueue_dma source(%dma_start3A_181 : memref<624x128xf32, #tpu.memory_space<vmem_shared>>) target(%dma_start3A_179 : memref<624x128xf32, #tpu.memory_space<hbm>>) target_semaphore(%run_scoped3A_177 : memref<!tpu.dma_semaphore, #tpu.memory_space<semaphore_mem>>)
        %dma_wait3A_182 = arith.constant 0 : i32
        %dma_wait3A_183 = tpu.memref_slice %arg6[%add3A_176, %dma_wait3A_182] : memref<20000x128xf32, #tpu.memory_space<hbm>> -> memref<624x128xf32, #tpu.memory_space<hbm>>
        %dma_wait3A_184 = arith.constant 0 : i32
        %dma_wait3A_185 = tpu.memref_slice %arg13[%mul3A_171, %dma_wait3A_184] : memref<10000x128xf32, #tpu.memory_space<vmem_shared>> -> memref<624x128xf32, #tpu.memory_space<vmem_shared>>
        tpu.wait_dma2 semaphore(%run_scoped3A_177 : memref<!tpu.dma_semaphore, #tpu.memory_space<semaphore_mem>>) src(%dma_wait3A_185 : memref<624x128xf32, #tpu.memory_space<vmem_shared>>) dst(%dma_wait3A_183 : memref<624x128xf32, #tpu.memory_space<hbm>>)
        tpu.yield
      }) : () -> ()
    } else {
    }
    %eq3A_165 = arith.constant 15 : i32
    %eq3A_166 = arith.cmpi eq, %arg1, %eq3A_165 : i32
    %convert_element_type3A_167 = arith.extui %eq3A_166 : i1 to i32
    %cond3A_168 = arith.constant 0 : i32
    %cond3A_169 = arith.cmpi ne, %convert_element_type3A_167, %cond3A_168 : i32
    scf.if %cond3A_169 {
      %mul3A_170 = arith.constant 10000 : i32
      %mul3A_171 = arith.muli %arg0, %mul3A_170 : i32
      %add3A_172 = arith.constant 9360 : i32
      %add3A_173 = arith.addi %mul3A_171, %add3A_172 : i32
      "tpu.region"() ({
        %run_scoped3A_174 = tpu.sem_alloc : memref<!tpu.dma_semaphore, #tpu.memory_space<semaphore_mem>>
        %dma_start3A_175 = arith.constant 0 : i32
        %dma_start3A_176 = tpu.memref_slice %arg6[%add3A_173, %dma_start3A_175] : memref<20000x128xf32, #tpu.memory_space<hbm>> -> memref<640x128xf32, #tpu.memory_space<hbm>>
        %dma_start3A_177 = arith.constant 9360 : i32
        %dma_start3A_178 = arith.constant 0 : i32
        %dma_start3A_179 = tpu.memref_slice %arg13[%dma_start3A_177, %dma_start3A_178] : memref<10000x128xf32, #tpu.memory_space<vmem_shared>> -> memref<640x128xf32, #tpu.memory_space<vmem_shared>>
        tpu.enqueue_dma source(%dma_start3A_179 : memref<640x128xf32, #tpu.memory_space<vmem_shared>>) target(%dma_start3A_176 : memref<640x128xf32, #tpu.memory_space<hbm>>) target_semaphore(%run_scoped3A_174 : memref<!tpu.dma_semaphore, #tpu.memory_space<semaphore_mem>>)
        %dma_wait3A_180 = arith.constant 0 : i32
        %dma_wait3A_181 = tpu.memref_slice %arg6[%add3A_173, %dma_wait3A_180] : memref<20000x128xf32, #tpu.memory_space<hbm>> -> memref<640x128xf32, #tpu.memory_space<hbm>>
        %dma_wait3A_182 = arith.constant 9360 : i32
        %dma_wait3A_183 = arith.constant 0 : i32
        %dma_wait3A_184 = tpu.memref_slice %arg13[%dma_wait3A_182, %dma_wait3A_183] : memref<10000x128xf32, #tpu.memory_space<vmem_shared>> -> memref<640x128xf32, #tpu.memory_space<vmem_shared>>
        tpu.wait_dma2 semaphore(%run_scoped3A_174 : memref<!tpu.dma_semaphore, #tpu.memory_space<semaphore_mem>>) src(%dma_wait3A_184 : memref<640x128xf32, #tpu.memory_space<vmem_shared>>) dst(%dma_wait3A_181 : memref<640x128xf32, #tpu.memory_space<hbm>>)
        tpu.yield
      }) : () -> ()
    } else {
    }
    return
  }
}

module attributes {stable_mosaic.version = 14 : i64} {
  func.func @body(%arg0: i32, %arg1: memref<2000x128xf32, #tpu.memory_space<vmem>>, %arg2: memref<2000x128xf32, #tpu.memory_space<vmem>>, %arg3: memref<2x32x1000xf32, #tpu.memory_space<vmem>>, %arg4: memref<128x128xf32, #tpu.memory_space<vmem>>, %arg5: memref<1x128xf32, #tpu.memory_space<vmem>>, %arg6: memref<128x128xf32, #tpu.memory_space<vmem>>, %arg7: memref<1x128xf32, #tpu.memory_space<vmem>>, %arg8: memref<3x128xf32, #tpu.memory_space<vmem>>, %arg9: memref<1x3xf32, #tpu.memory_space<vmem>>, %arg10: memref<1x3xf32, #tpu.memory_space<vmem>>, %arg11: memref<1x128xf32, #tpu.memory_space<vmem>>) attributes {dimension_semantics = [#tpu.dimension_semantics<arbitrary>], iteration_bounds = array<i64: 5>, scalar_prefetch = 0 : i64, scratch_operands = 1 : i64, tpu.core_type = #tpu.core_type<tc>, window_params = [{transform_indices = @transform_0, window_bounds = array<i64: 2000, 128>}, {transform_indices = @transform_1, window_bounds = array<i64: 2000, 128>}, {transform_indices = @transform_2, window_bounds = array<i64: 2, 32, 1000>}, {pipeline_mode = #tpu.pipeline_mode<synchronous>, transform_indices = @transform_3, window_bounds = array<i64: 128, 128>}, {pipeline_mode = #tpu.pipeline_mode<synchronous>, transform_indices = @transform_4, window_bounds = array<i64: 1, 128>}, {pipeline_mode = #tpu.pipeline_mode<synchronous>, transform_indices = @transform_5, window_bounds = array<i64: 128, 128>}, {pipeline_mode = #tpu.pipeline_mode<synchronous>, transform_indices = @transform_6, window_bounds = array<i64: 1, 128>}, {pipeline_mode = #tpu.pipeline_mode<synchronous>, transform_indices = @transform_7, window_bounds = array<i64: 3, 128>}, {pipeline_mode = #tpu.pipeline_mode<synchronous>, transform_indices = @transform_8, window_bounds = array<i64: 1, 3>}, {pipeline_mode = #tpu.pipeline_mode<synchronous>, transform_indices = @transform_9, window_bounds = array<i64: 1, 3>}]} {
    %eq3A = arith.constant 0 : i32
    %eq3A_0 = arith.cmpi eq, %arg0, %eq3A : i32
    %convert_element_type3A = arith.extui %eq3A_0 : i1 to i32
    %cond3A = arith.constant 0 : i32
    %cond3A_1 = arith.cmpi ne, %convert_element_type3A, %cond3A : i32
    scf.if %cond3A_1 {
      %broadcast_in_dim3A_57 = arith.constant 0.000000e+00 : f32
      %broadcast_in_dim3A_58 = vector.broadcast %broadcast_in_dim3A_57 : f32 to vector<1x128xf32>
      %swap3A_59 = arith.constant 0 : index
      %swap3A_60 = arith.constant 0 : index
      %swap3A_61 = vector.load %arg11[%swap3A_59, %swap3A_60] : memref<1x128xf32, #tpu.memory_space<vmem>>, vector<1x128xf32>
      tpu.vector_store %arg11[%swap3A_59, %swap3A_60], %broadcast_in_dim3A_58 {strides = array<i32>} : memref<1x128xf32, #tpu.memory_space<vmem>>, vector<1x128xf32>,
    } else {
    }
    %broadcast_in_dim3A = arith.constant 1.000000e+00 : f32
    %broadcast_in_dim3A_2 = vector.broadcast %broadcast_in_dim3A : f32 to vector<32x1xf32>
    %get3A = arith.constant 0 : index
    %get3A_3 = arith.constant 0 : index
    %get3A_4 = arith.constant 0 : index
    %get3A_5 = vector.load %arg3[%get3A, %get3A_3, %get3A_4] : memref<2x32x1000xf32, #tpu.memory_space<vmem>>, vector<1x32x1000xf32>
    %get3A_6 = vector.shape_cast %get3A_5 : vector<1x32x1000xf32> to vector<32x1000xf32>
    %dot_general3A = arith.constant dense<0.000000e+00> : vector<1000x1xf32>
    %dot_general3A_7 = tpu.matmul %get3A_6, %broadcast_in_dim3A_2, %dot_general3A {dimension_numbers = #tpu.dot_dimension_numbers<[0], [0], [1], [1], [0, 1, 1, 1], [], []>, transpose_lhs_hint = false} : vector<32x1000xf32>, vector<32x1xf32>, vector<1000x1xf32> -> vector<1000x1xf32>
    %get3A_8 = arith.constant 1 : index
    %get3A_9 = arith.constant 0 : index
    %get3A_10 = arith.constant 0 : index
    %get3A_11 = vector.load %arg3[%get3A_8, %get3A_9, %get3A_10] : memref<2x32x1000xf32, #tpu.memory_space<vmem>>, vector<1x32x1000xf32>
    %get3A_12 = vector.shape_cast %get3A_11 : vector<1x32x1000xf32> to vector<32x1000xf32>
    %dot_general3A_13 = arith.constant dense<0.000000e+00> : vector<1000x1xf32>
    %dot_general3A_14 = tpu.matmul %get3A_12, %broadcast_in_dim3A_2, %dot_general3A_13 {dimension_numbers = #tpu.dot_dimension_numbers<[0], [0], [1], [1], [0, 1, 1, 1], [], []>, transpose_lhs_hint = false} : vector<32x1000xf32>, vector<32x1xf32>, vector<1000x1xf32> -> vector<1000x1xf32>
    %concatenate3A = tpu.concatenate %dot_general3A_7, %dot_general3A_14 in 0 : vector<1000x1xf32>, vector<1000x1xf32> -> vector<2000x1xf32>
    %get3A_15 = arith.constant 0 : index
    %get3A_16 = arith.constant 0 : index
    %get3A_17 = vector.load %arg1[%get3A_15, %get3A_16] : memref<2000x128xf32, #tpu.memory_space<vmem>>, vector<2000x128xf32>
    %get3A_18 = arith.constant 0 : index
    %get3A_19 = arith.constant 0 : index
    %get3A_20 = vector.load %arg2[%get3A_18, %get3A_19] : memref<2000x128xf32, #tpu.memory_space<vmem>>, vector<2000x128xf32>
    %add3A = arith.addf %get3A_17, %get3A_20 : vector<2000x128xf32>
    %div3A = vector.broadcast %concatenate3A : vector<2000x1xf32> to vector<2000x128xf32>
    %div3A_21 = arith.divf %add3A, %div3A : vector<2000x128xf32>
    %get3A_22 = arith.constant 0 : index
    %get3A_23 = arith.constant 0 : index
    %get3A_24 = vector.load %arg4[%get3A_22, %get3A_23] : memref<128x128xf32, #tpu.memory_space<vmem>>, vector<128x128xf32>
    %dot_general3A_25 = arith.constant dense<0.000000e+00> : vector<2000x128xf32>
    %dot_general3A_26 = tpu.matmul %div3A_21, %get3A_24, %dot_general3A_25 {dimension_numbers = #tpu.dot_dimension_numbers<[1], [0], [0], [1], [0, 0, 1, 1], [], []>, transpose_lhs_hint = false} : vector<2000x128xf32>, vector<128x128xf32>, vector<2000x128xf32> -> vector<2000x128xf32>
    %get3A_27 = arith.constant 0 : index
    %get3A_28 = arith.constant 0 : index
    %get3A_29 = vector.load %arg5[%get3A_27, %get3A_28] : memref<1x128xf32, #tpu.memory_space<vmem>>, vector<1x128xf32>
    %add3A_30 = vector.broadcast %get3A_29 : vector<1x128xf32> to vector<2000x128xf32>
    %add3A_31 = arith.addf %dot_general3A_26, %add3A_30 : vector<2000x128xf32>
    %get3A_32 = arith.constant 0 : index
    %get3A_33 = arith.constant 0 : index
    %get3A_34 = vector.load %arg6[%get3A_32, %get3A_33] : memref<128x128xf32, #tpu.memory_space<vmem>>, vector<128x128xf32>
    %dot_general3A_35 = arith.constant dense<0.000000e+00> : vector<2000x128xf32>
    %dot_general3A_36 = tpu.matmul %add3A_31, %get3A_34, %dot_general3A_35 {dimension_numbers = #tpu.dot_dimension_numbers<[1], [0], [0], [1], [0, 0, 1, 1], [], []>, transpose_lhs_hint = false} : vector<2000x128xf32>, vector<128x128xf32>, vector<2000x128xf32> -> vector<2000x128xf32>
    %get3A_37 = arith.constant 0 : index
    %get3A_38 = arith.constant 0 : index
    %get3A_39 = vector.load %arg7[%get3A_37, %get3A_38] : memref<1x128xf32, #tpu.memory_space<vmem>>, vector<1x128xf32>
    %add3A_40 = vector.broadcast %get3A_39 : vector<1x128xf32> to vector<2000x128xf32>
    %add3A_41 = arith.addf %dot_general3A_36, %add3A_40 : vector<2000x128xf32>
    %max3A = arith.constant 0.000000e+00 : f32
    %max3A_42 = vector.broadcast %max3A : f32 to vector<2000x128xf32>
    %max3A_43 = arith.maximumf %add3A_41, %max3A_42 : vector<2000x128xf32>
    %get3A_44 = arith.constant 0 : index
    %get3A_45 = arith.constant 0 : index
    %get3A_46 = vector.load %arg11[%get3A_44, %get3A_45] : memref<1x128xf32, #tpu.memory_space<vmem>>, vector<1x128xf32>
    %reduce_sum3A = arith.constant dense<0.000000e+00> : vector<128xf32>
    %reduce_sum3A_47 = vector.multi_reduction <add>, %max3A_43, %reduce_sum3A [0] : vector<2000x128xf32> to vector<128xf32>
    %broadcast_in_dim3A_48 = vector.shape_cast %reduce_sum3A_47 : vector<128xf32> to vector<1x128xf32>
    %add3A_49 = arith.addf %get3A_46, %broadcast_in_dim3A_48 : vector<1x128xf32>
    %swap3A = arith.constant 0 : index
    %swap3A_50 = arith.constant 0 : index
    %swap3A_51 = vector.load %arg11[%swap3A, %swap3A_50] : memref<1x128xf32, #tpu.memory_space<vmem>>, vector<1x128xf32>
    tpu.vector_store %arg11[%swap3A, %swap3A_50], %add3A_49 {strides = array<i32>} : memref<1x128xf32, #tpu.memory_space<vmem>>, vector<1x128xf32>,
    %eq3A_52 = arith.constant 4 : i32
    %eq3A_53 = arith.cmpi eq, %arg0, %eq3A_52 : i32
    %convert_element_type3A_54 = arith.extui %eq3A_53 : i1 to i32
    %cond3A_55 = arith.constant 0 : i32
    %cond3A_56 = arith.cmpi ne, %convert_element_type3A_54, %cond3A_55 : i32
    scf.if %cond3A_56 {
      %get3A_57 = arith.constant 0 : index
      %get3A_58 = arith.constant 0 : index
      %get3A_59 = vector.load %arg11[%get3A_57, %get3A_58] : memref<1x128xf32, #tpu.memory_space<vmem>>, vector<1x128xf32>
      %get3A_60 = arith.constant 0 : index
      %get3A_61 = arith.constant 0 : index
      %get3A_62 = vector.load %arg8[%get3A_60, %get3A_61] : memref<3x128xf32, #tpu.memory_space<vmem>>, vector<3x128xf32>
      %dot_general3A_63 = arith.constant dense<0.000000e+00> : vector<1x3xf32>
      %dot_general3A_64 = tpu.matmul %get3A_59, %get3A_62, %dot_general3A_63 {dimension_numbers = #tpu.dot_dimension_numbers<[1], [1], [0], [0], [0, 0, 1, 0], [], []>, transpose_lhs_hint = false} : vector<1x128xf32>, vector<3x128xf32>, vector<1x3xf32> -> vector<1x3xf32>
      %get3A_65 = arith.constant 0 : index
      %get3A_66 = arith.constant 0 : index
      %get3A_67 = vector.load %arg9[%get3A_65, %get3A_66] : memref<1x3xf32, #tpu.memory_space<vmem>>, vector<1x3xf32>
      %mul3A = arith.constant 1.000000e+04 : f32
      %mul3A_68 = vector.broadcast %mul3A : f32 to vector<1x3xf32>
      %mul3A_69 = arith.mulf %get3A_67, %mul3A_68 : vector<1x3xf32>
      %add3A_70 = arith.addf %dot_general3A_64, %mul3A_69 : vector<1x3xf32>
      %swap3A_71 = arith.constant 0 : index
      %swap3A_72 = arith.constant 0 : index
      %swap3A_73 = vector.load %arg10[%swap3A_71, %swap3A_72] : memref<1x3xf32, #tpu.memory_space<vmem>>, vector<1x3xf32>
      tpu.vector_store %arg10[%swap3A_71, %swap3A_72], %add3A_70 {strides = array<i32>} : memref<1x3xf32, #tpu.memory_space<vmem>>, vector<1x3xf32>,
    } else {
    }
    return
  }
  func.func @transform_0(%arg0: i32) -> (i32, i32) {
    %c0_i32 = arith.constant 0 : i32
    %c0_i32_0 = arith.constant 0 : i32
    return %arg0, %c0_i32 : i32, i32
  }
  func.func @transform_1(%arg0: i32) -> (i32, i32) {
    %add3A = arith.constant 5 : i32
    %add3A_0 = arith.addi %arg0, %add3A : i32
    %c0_i32 = arith.constant 0 : i32
    %c0_i32_1 = arith.constant 0 : i32
    return %add3A_0, %c0_i32 : i32, i32
  }
  func.func @transform_2(%arg0: i32) -> (i32, i32, i32) {
    %c0_i32 = arith.constant 0 : i32
    %c0_i32_0 = arith.constant 0 : i32
    %c0_i32_1 = arith.constant 0 : i32
    return %arg0, %c0_i32, %c0_i32_0 : i32, i32, i32
  }
  func.func @transform_3(%arg0: i32) -> (i32, i32) {
    %c0_i32 = arith.constant 0 : i32
    %c0_i32_0 = arith.constant 0 : i32
    %c0_i32_1 = arith.constant 0 : i32
    return %c0_i32, %c0_i32_0 : i32, i32
  }
  func.func @transform_4(%arg0: i32) -> (i32, i32) {
    %c0_i32 = arith.constant 0 : i32
    %c0_i32_0 = arith.constant 0 : i32
    %c0_i32_1 = arith.constant 0 : i32
    return %c0_i32, %c0_i32_0 : i32, i32
  }
  func.func @transform_5(%arg0: i32) -> (i32, i32) {
    %c0_i32 = arith.constant 0 : i32
    %c0_i32_0 = arith.constant 0 : i32
    %c0_i32_1 = arith.constant 0 : i32
    return %c0_i32, %c0_i32_0 : i32, i32
  }
  func.func @transform_6(%arg0: i32) -> (i32, i32) {
    %c0_i32 = arith.constant 0 : i32
    %c0_i32_0 = arith.constant 0 : i32
    %c0_i32_1 = arith.constant 0 : i32
    return %c0_i32, %c0_i32_0 : i32, i32
  }
  func.func @transform_7(%arg0: i32) -> (i32, i32) {
    %c0_i32 = arith.constant 0 : i32
    %c0_i32_0 = arith.constant 0 : i32
    %c0_i32_1 = arith.constant 0 : i32
    return %c0_i32, %c0_i32_0 : i32, i32
  }
  func.func @transform_8(%arg0: i32) -> (i32, i32) {
    %c0_i32 = arith.constant 0 : i32
    %c0_i32_0 = arith.constant 0 : i32
    %c0_i32_1 = arith.constant 0 : i32
    return %c0_i32, %c0_i32_0 : i32, i32
  }
  func.func @transform_9(%arg0: i32) -> (i32, i32) {
    %c0_i32 = arith.constant 0 : i32
    %c0_i32_0 = arith.constant 0 : i32
    %c0_i32_1 = arith.constant 0 : i32
    return %c0_i32, %c0_i32_0 : i32, i32
  }
}

</mosaic_0001>

<sc_bundles>
// kernel: kernel.4.cloned.1.call-start
scs
__scs_entry_jumppad:
0x0: {  	(pc) =	sbr.rel $0x88, $3  }
0x1: {  	(tag) =	ssettag $0x0;
	lr =	simm.s32 $0x1  }
0x2: {  	[smem:$0x3F99] =	sst lr;
	_ =	strace $0xD0000000  }
0x3: {  	_ = 	snop  }
0x4: {  	_ = 	snop  }
0x5: {  	_ = 	snop  }
0x6: {  	_ = 	snop  }
0x7: {  	_ = 	snop  }
__scs_overlays_trampoline_lowered:
0x8: {  	[smem:$0x3FA8] =	sst s0  }
0x9: {  	[smem:$0x3FA9] =	sst s1  }
0xa: {  	[smem:$0x3FAA] =	sst s2  }
0xb: {  	[smem:$0x3FAB] =	sst s3  }
0xc: {  	[smem:$0x3FAC] =	sst s4  }
0xd: {  	[smem:$0x3FAD] =	sst s5  }
0xe: {  	[smem:$0x3FAE] =	sst s6  }
0xf: {  	[smem:$0x3FAF] =	sst s7  }
0x10: {  	[smem:$0x3FB0] =	sst s8  }
0x11: {  	[smem:$0x3FB1] =	sst s9;
	s0 =	simm.s32 @!p0 $0x0  }
0x12: {  	s1 =	sld [smem:$0x3F97];
	s0 =	simm.s32 @p0 $0x1  }
0x13: {  	[smem:$0x3FB2] =	sst s0;
	s0 =	simm.s32 @!p1 $0x0  }
0x14: {  	s2 =	sld [smem:$0x3F96];
	s0 =	simm.s32 @p1 $0x1  }
0x15: {  	[smem:$0x3FB3] =	sst s0;
	s0 =	simm.s32 @!p2 $0x0  }
0x16: {  	s3 =	sld [smem:$0x3FDB];
	s0 =	simm.s32 @p2 $0x1  }
0x17: {  	s4 =	simm.s32 $0x1BF5;
	[smem:$0x3FB5] =	sst s0  }
0x18: {  	s0 =	sld [smem:$0x3F98];
	_ =	swait.ge [sflag:s4], $0x0  }
0x19: {  	s7 =	sld [smem:$0x3F99]  }
0x1a: {  	s8 =	sadd.s32 $0xFFFFE003, lr  }
0x1b: {  	s9 =	sadd.s32 $0xFFFFFEF7, lr;
	s5 =	simm.s32 $0xFFFFFFFF;
	p2 =	slt.u32 s8, $0xFFFFF086  }
0x1c: {  	p1 =	slt.u32 s9, $0xF7A;
	s5 =	simm.s32 @!p2 $0x0  }
0x1d: {  	s5 =	simm.s32 @p1 $0x1;
	p0 =	seq.s32 s7, s2  }
0x1e: {  	s7 =	smul.u32 @!p0 $0xF7A, s2;
	p2 =	seq.s32 @!p0 s5, $0x0  }
0x1f: {  	s9 =	smul.u32 $0xF7A, s1;
	s8 =	simm.s32 @!p0 $0x1BF5;
	p2 =	por !p2, p0  }
0x20: {  	[sflag:s8] =	ssyncset.s32 @!p0 $0xFFFFF086;
	s6 =	sadd.s32 @!p0 s3, s7;
	s7 =	simm.s32 @!p0 $0x108  }
0x21: {  	s3 =	sadd.s32 s3, s9;
	s6 =	sadd.s32 @!p0 $0x88, s6;
	s7 =	simm.s32 @p2 $0x1082  }
0x22: {  	[simem:s7], [sflag:s8] =	dma.local @!p0 [hbm:s6], $0xF7A  }
0x23: {  	s9 =	sor.u32 $0xD0000000, s2;
	s6 =	simm.s32 $0x108;
	_ =	swait.ge @!p0 [sflag:s8], $0x0  }
0x24: {  	s3 =	sadd.s32 $0x88, s3;
	s6 =	simm.s32 @!p1 $0x1082;
	[sflag:s4] =	ssyncset.s32 $0xFFFFF086  }
0x25: {  	[simem:s6], [sflag:s4] =	dma.local [hbm:s3], $0xF7A  }
0x26: {  	[smem:$0x3F99] =	sst s1;
	(tag) =	ssettag s2;
	_ =	strace s9  }
0x27: {  	s1 =	sld [smem:$0x3FA9]  }
0x28: {  	s2 =	sld [smem:$0x3FAA]  }
0x29: {  	s4 =	sld [smem:$0x3FAC]  }
0x2a: {  	p0 =	seq.s32 s5, $0x0;
	s5 =	sld [smem:$0x3FAD]  }
0x2b: {  	s6 =	sld [smem:$0x3FAE]  }
0x2c: {  	s7 =	sld [smem:$0x3FAF]  }
0x2d: {  	s3 =	simm.s32 $0x108;
	s8 =	sld [smem:$0x3FB0]  }
0x2e: {  	s3 =	simm.s32 @!p0 $0x1082;
	s9 =	sld [smem:$0x3FB1]  }
0x2f: {  	lr =	sadd.s32 s0, s3;
	s0 =	sld [smem:$0x3FA8]  }
0x30: {  	s3 =	sld [smem:$0x3FAB]  }
0x31: {  	[smem:$0x3FB4] =	sst s10  }
0x32: {  	s10 =	sld [smem:$0x3FB2];
	_ =	sdelay $0x3  }
0x33: {  	p0 =	seq.s32 s10, $0x1;
	s10 =	sld [smem:$0x3FB4];
	_ =	sdelay $0x3  }
0x34: {  	[smem:$0x3FB4] =	sst s10  }
0x35: {  	s10 =	sld [smem:$0x3FB3];
	_ =	sdelay $0x3  }
0x36: {  	p1 =	seq.s32 s10, $0x1;
	s10 =	sld [smem:$0x3FB4];
	_ =	sdelay $0x3  }
0x37: {  	[smem:$0x3FB4] =	sst s10  }
0x38: {  	s10 =	sld [smem:$0x3FB5]  }
0x39: {  	_ = 	snop;
	(pc) =	sbr.ind lr, $3  }
0x3a: {  	_ = 	snop  }
0x3b: {  	_ = 	snop  }
0x3c: {  	p2 =	seq.s32 s10, $0x1;
	s10 =	sld [smem:$0x3FB4]  }
0x3d: {  	_ =	shalt  }
0x3e: {  	_ =	shalt  }
0x3f: {  	_ =	shalt  }
0x40: {  	_ =	shalt  }
0x41: {  	_ =	shalt  }
0x42: {  	_ =	shalt  }
0x43: {  	_ =	shalt  }
0x44: {  	_ =	shalt  }
0x45: {  	_ =	shalt  }
0x46: {  	_ =	shalt  }
0x47: {  	_ =	shalt  }
0x48: {  	_ =	shalt  }
0x49: {  	_ =	shalt  }
0x4a: {  	_ =	shalt  }
0x4b: {  	_ =	shalt  }
0x4c: {  	_ =	shalt  }
0x4d: {  	_ =	shalt  }
0x4e: {  	_ =	shalt  }
0x4f: {  	_ =	shalt  }
0x50: {  	_ =	shalt  }
0x51: {  	_ =	shalt  }
0x52: {  	_ =	shalt  }
0x53: {  	_ =	shalt  }
0x54: {  	_ =	shalt  }
0x55: {  	_ =	shalt  }
0x56: {  	_ =	shalt  }
0x57: {  	_ =	shalt  }
0x58: {  	_ =	shalt  }
0x59: {  	_ =	shalt  }
0x5a: {  	_ =	shalt  }
0x5b: {  	_ =	shalt  }
0x5c: {  	_ =	shalt  }
0x5d: {  	_ =	shalt  }
0x5e: {  	_ =	shalt  }
0x5f: {  	_ =	shalt  }
0x60: {  	_ =	shalt  }
0x61: {  	_ =	shalt  }
0x62: {  	_ =	shalt  }
0x63: {  	_ =	shalt  }
0x64: {  	_ =	shalt  }
0x65: {  	_ =	shalt  }
0x66: {  	_ =	shalt  }
0x67: {  	_ =	shalt  }
0x68: {  	_ =	shalt  }
0x69: {  	_ =	shalt  }
0x6a: {  	_ =	shalt  }
0x6b: {  	_ =	shalt  }
0x6c: {  	_ =	shalt  }
0x6d: {  	_ =	shalt  }
0x6e: {  	_ =	shalt  }
0x6f: {  	_ =	shalt  }
0x70: {  	_ =	shalt  }
0x71: {  	_ =	shalt  }
0x72: {  	_ =	shalt  }
0x73: {  	_ =	shalt  }
0x74: {  	_ =	shalt  }
0x75: {  	_ =	shalt  }
0x76: {  	_ =	shalt  }
0x77: {  	_ =	shalt  }
0x78: {  	_ =	shalt  }
0x79: {  	_ =	shalt  }
0x7a: {  	_ =	shalt  }
0x7b: {  	_ =	shalt  }
0x7c: {  	_ =	shalt  }
0x7d: {  	_ =	shalt  }
0x7e: {  	_ =	shalt  }
0x7f: {  	_ =	shalt  }
0x80: {  	_ =	shalt  }
0x81: {  	_ =	shalt  }
0x82: {  	_ =	shalt  }
0x83: {  	_ =	shalt  }
0x84: {  	_ =	shalt  }
0x85: {  	_ =	shalt  }
0x86: {  	_ =	shalt  }
0x87: {  	_ =	shalt  }
.Lfunc_end0:
.L_simem_size_0:
called_computation_lowered:
.L_overlay_start_0:
0x88: {  	s2 =	sld [smem:$0x3FD9]  }
0x89: {  	s3 =	sld [smem:$0x3FFE];
	_ =	sdelay $0x1  }
0x8a: {  	s1 =	srdreg.scid  }
0x8b: {  	s0 =	sand.u32 $0x1, s1  }
0x8c: {  	s17 =	sshll.u32 s0, $0xA;
	s2 =	sadd.s32 s3, s2  }
0x8d: {  	s2 =	sadd.s32 s2, s17  }
0x8e: {  	[smem:$0x3FC0] =	sst s2  }
0x8f: {  	_ = 	snop  }
0x90: {  	s2 =	sld [smem:$0x3FC9];
	(tm) =	ssettm $0x1  }
0x91: {  	s18 =	sld [smem:$0x3FFB];
	_ =	sdelay $0x3  }
0x92: {  	_ =	strace s18  }
0x93: {  	s3 =	sld [smem:$0x3FFC];
	_ =	sdelay $0x3  }
0x94: {  	_ =	strace s3  }
0x95: {  	s3 =	sld [smem:$0x3FFD];
	_ =	sdelay $0x3  }
0x96: {  	_ =	strace s3  }
0x97: {  	_ =	strace $0x8FFFFFFF  }
0x98: {  	s19 =	sld [smem:$0x3FDB];
	_ =	sdelay $0x1  }
0x99: {  	s4 =	simm.s32 $_scs_section_size  }
0x9a: {  	s5 =	simm.s32 $_size__tile_overlayer_lowered;
	s6 =	simm.s32 $_tile_overlayer_lowered  }
0x9b: {  	s22 =	simm.s32 $0x1BFF;
	s21 =	sshll.u32 s6, $0x1;
	s3 =	sadd.s32 s4, s19  }
0x9c: {  	s7 =	simm.s32 $0x0;
	s20 =	sshll.u32 s5, $0x1;
	s5 =	sadd.s32 s21, s3  }
0x9d: {  	[timem:s7], [sflag:s22] =	dma.local [hbm:s5], s20  }
0x9e: {  	_ =	swait.ge [sflag:s22], s20  }
0x9f: {  	s4 =	ssub.s32 $0x0, s20;
	[sflag:s22] =	ssyncset.done $0x0  }
0xa0: {  	[sflag:s22] =	ssyncadd.s32 s4;
	_ =	sdelay $0x1  }
0xa1: {  	s23 =	simm.s32 $0x1B8B  }
0xa2: {  	_ =	swait.ge [sflag:s23], $0x1  }
0xa3: {  	[sflag:s23] =	ssyncset.done $0x0  }
0xa4: {  	s25 =	simm.s32 $0x1B8E;
	s24 =	sld [smem:$0x3FFE];
	[sflag:s23] =	ssyncadd.s32 $0xFFFFFFFF  }
0xa5: {  	s26 =	simm.s32 $execute0_lowered;
	[smem:$0x3FD2] =	sst s25  }
0xa6: {  	s5 =	sshll.u32 s26, $0x1;
	_ =	strace $0x80000046;
	[dreg:$0x1] =	wrdreg $0xFFFFFFFF  }
0xa7: {  	s28 =	simm.s32 $_size_execute0_lowered;
	s3 =	sadd.s32 s3, s5;
	[dreg:$0x0] =	wrdreg $0x0  }
0xa8: {  	s5 =	sshll.u32 s28, $0x1;
	[dreg:$0x2] =	wrdreg s3  }
0xa9: {  	[dreg:$0x3] =	wrdreg s5  }
0xaa: {  	[dreg:$0x4] =	wrdreg $0xC0  }
0xab: {  	_ =	task [dreg:s7], $0x5FFFF  }
0xac: {  	[dreg:$0x1] =	wrdreg $0xFFFFFFFF  }
0xad: {  	[dreg:$0x0] =	wrdreg $0x60  }
0xae: {  	[dreg:$0x2] =	wrdreg s2  }
0xaf: {  	[dreg:$0x3] =	wrdreg s24  }
0xb0: {  	[dreg:$0x4] =	wrdreg $0xC5300  }
0xb1: {  	[dreg:$0x5] =	wrdreg $0x9  }
0xb2: {  	_ =	task.clear_ibuf [dreg:s7], $0x6FFFF;
	_ =	strace $0x90000046  }
0xb3: {  	s29 =	simm.s32 $0x9;
	_ =	strace $0x80000048  }
0xb4: {  	_ =	swait.ge [sflag:s29], $0x1  }
0xb5: {  	[sflag:s29] =	ssyncadd.s32 $0xFFFFFFFF  }
0xb6: {  	_ =	strace $0x90000048  }
0xb7: {  	_ =	sfence  }
0xb8: {  	s30 =	sld [smem:$0x0];
	_ =	sdelay $0x2  }
0xb9: {  	s31 =	sshll.u32 s1, $0xD;
	s1 =	sshrl.u32 s1, $0x2  }
0xba: {  	s3 =	sand.u32 $0x4000, s31;
	s1 =	sadd.s32 s1, s30  }
0xbb: {  	s0 =	sor.u32 s3, s0;
	s1 =	sshll.u32 s1, $0x11  }
0xbc: {  	s0 =	sor.u32 s1, s0  }
0xbd: {  	s0 =	sadd.s32 $0x8F2B, s0  }
0xbe: {  	[sflag:s0] =	ssyncadd.remote.s32 $0x1  }
0xbf: {  	_ =	sfence.sel $0xFFFF  }
0xc0: {  	[dreg:$0x0] =	wrdreg $0xFFFFFFFF;
	(pc) =	sbr.abs _section_cstart, $3  }
0xc1: {  	[dreg:$0x1] =	wrdreg $0xFFFFFFFF  }
0xc2: {  	_ =	task.clear_ibuf [dreg:s7], $0x2FFFF;
	_ =	strace $0x9FFFFFFF  }
0xc3: {  	(tm) =	ssettm $0x7FFFFFFF  }
tec
execute0_lowered:
.L_overlay_start_1:
0x0: {  	(tag) =	ssettag $0x1  }
0x1: {  	s0 =	rddreg [dreg:$0x0]  }
0x2: {  	s6 =	rddreg [dreg:$0x1]  }
0x3: {  	s1 =	srdreg.scid;
	s3 =	rddreg [dreg:$0x2]  }
0x4: {  	s2 =	stileid.u32;
	s4 =	simm.s32 $0x0;
	s29 =	simm.s32 $0x50  }
0x5: {  	s30 =	simm.s32 $0x4E20;
	s31 =	simm.s32 $0x7620;
	s1 =	sand.u32 $0x1, s1  }
0x6: {  	[smem:$0x7FF] =	sst s4;
	s21 =	sadd.s32 $0x21000, s6;
	s20 =	smul.u32 $0x13800, s2  }
0x7: {  	p4 =	sne.s32 s2, $0xF;
	p0 =	seq.s32 s2, $0xF;
	s12 =	smul.u32 $0x4E000, s2  }
0x8: {  	s22 =	sadd.s32 $0x24900, s0;
	s26 =	smul.u32 $0x2700, s2;
	s5 =	sshll.u32 s1, $0x4  }
0x9: {  	_ =	strace $0x80000047;
	s10 =	ssub.s32 $0x2, s1;
	p1 =	seq.s32 s1, $0x0  }
0xa: {  	[dreg:$0x6] =	wrdreg s22;
	s9 =	sor.u32 s2, s5;
	s11 =	sshrl.u32 s10, $0x1  }
0xb: {  	p2 =	por !p4, !p1;
	p3 =	por !p0, !p1;
	s5 =	smul.u32 $0x4E2, s9  }
0xc: {  	s25 =	sadd.s32 s20, s3;
	s24 =	sshrl.u32 s12, $0x2;
	s7 =	smul.u32 $0x3E8, s9  }
0xd: {  	s10 =	ssub.s32 s10, s11;
	p1 =	por !p2, !p2;
	p2 =	por !p3, !p3  }
0xe: {  	s11 =	sshrl.u32 s20, $0x3;
	p3 =	seq.s32 s1, $0x1;
	p5 =	seq.s32 s9, $0x0  }
0xf: {  	s28 =	sshrl.u32 s25, $0x3;
	s25 =	simm.s32 $0x0;
	s23 =	sadd.s32 s0, s11  }
0x10: {  	p4 =	por !p4, !p3;
	s11 =	sadd.s32 s24, s3;
	s24 =	smax.u32 s10, $0x1  }
0x11: {  	[dreg:$0x8] =	wrdreg s28;
	s10 =	simm.s32 $0x2;
	s8 =	sadd.s32 s5, s6  }
0x12: {  	s5 =	sadd.s32 $0x14A00, s6;
	s7 =	sshrl.u32 s7, $0x3;
	[dreg:$0x7] =	wrdreg s23  }
0x13: {  	p4 =	por !p4, !p4;
	s6 =	sadd.s32 s7, s6;
	s18 =	sadd.s32 $0xAC00, s8  }
0x14: {  	s19 =	sadd.s32 $0xE00, s8;
	s8 =	sadd.s32 $0x124800, s3;
	[dreg:$0x4] =	wrdreg s18  }
0x15: {  	[dreg:$0x5] =	wrdreg s19;
	s19 =	smul.u32 $0x27100, s1;
	s12 =	sadd.s32 $0x17200, s6  }
0x16: {  	s13 =	sadd.s32 $0x181A0, s6;
	s14 =	sadd.s32 $0x19140, s6;
	s1 =	smul.u32 $0x138800, s1  }
0x17: {  	s15 =	sadd.s32 $0x1A0E0, s6;
	s16 =	sadd.s32 $0x1B080, s6;
	s17 =	sadd.s32 $0x1C020, s6  }
0x18: {  	s18 =	sadd.s32 $0x1CFC0, s6;
	s22 =	sadd.s32 $0x1FEA0, s6;
	s9 =	sadd.s32 s26, s19  }
0x19: {  	s1 =	sshrl.u32 s1, $0x3;
	s19 =	sadd.s32 $0x1DF60, s6;
	s26 =	simm.s32 $0x3  }
0x1a: {  	v0 =	vimm.f32 $1.000000000e+00;
	s20 =	sadd.s32 s21, s9;
	s1 =	sadd.s32 s21, s1;
	s21 =	sadd.s32 $0x1EF00, s6  }
0x1b: {  	v1 =	vpsel !p5, $0x0, v0;
	s9 =	simm.s32 $0x1;
	s23 =	sadd.s32 $0x24900, s1;
	s1 =	simm.s32 $0x9E20  }
.LBB2_1:
0x1c: {  	s6 =	rddreg [dreg:$0x4]  }
0x1d: {  	[tilespmem:s4], [sflag:$0x3] =	stream.linear.gather [hbm4b:s6+s4], $0x2710, $0x38;
	[tilespmem:$0x1FDB0] =	vst v63  }
0x1e: {  	_ =	swait.ge [sflag:s26], $0x2710  }
0x1f: {  	s7 =	simm.s32 $0x2710;
	[sflag:s26] =	ssyncset.done $0x0  }
.Ltmp0:
0x20: {  	s28 =	rddreg [dreg:$0x5];
	[sflag:s26] =	ssyncadd.s32 $0xFFFFD8F0;
	(pc) =	sbr.rel @!p1 .LBB2_4-.Ltmp0, $4  }
0x21: {  	[tilespmem:s7], [sflag:$0x3] =	stream.linear.gather [hbm4b:s28+s4], $0x2710, $0x38;
	[tilespmem:$0x1FDB0] =	vst v63  }
0x22: {  	_ =	swait.ge [sflag:s26], $0x2710  }
0x23: {  	[sflag:s26] =	ssyncset.done $0x0  }
0x24: {  	[sflag:s26] =	ssyncadd.s32 $0xFFFFD8F0  }
0x25: {  	s6 =	sshll.u32 s2, $0x6;
	s7 =	rddreg [dreg:$0x7]  }
.Ltmp1:
0x26: {  	s28 =	rddreg [dreg:$0x8];
	s6 =	sor.u32 $0x1C03, s6;
	(pc) =	sbr.rel .LBB2_3-.Ltmp1, $4  }
0x27: {  	[spmem:s28], [sflag:s6] =	dma.local [hbm:s7], $0x2700  }
0x28: {  	_ =	swait.ge [sflag:s26], $0x2700  }
0x29: {  	[sflag:s26] =	ssyncset.done $0x0  }
0x2a: {  	p5 =	por $0x0, $0x0;
	[sflag:s26] =	ssyncadd.s32 $0xFFFFD900  }
.LBB2_4:
.Ltmp2:
0x2b: {  	(pc) =	sbr.rel @!p2 .LBB2_3-.Ltmp2, $2  }
0x2c: {  	_ =	sdelay $0x2  }
0x2d: {  	p5 =	por p0, p0  }
.Ltmp3:
0x2e: {  	(pc) =	sbr.rel .LBB2_6-.Ltmp3, $2  }
0x2f: {  	_ =	sdelay $0x2  }
0x30: {  	p5 =	por $0x1, $0x1;
	s6 =	simm.s32 $0xF;
	s28 =	rddreg [dreg:$0x6]  }
.LBB2_3:
0x31: {  	s6 =	sshll.u32 @p4 s2, $0x6;
	p6 =	por @p4 $0x1, $0x1  }
0x32: {  	s28 =	sshrl.u32 @p4 s11, $0x3;
	s6 =	sor.u32 @p4 $0x1C03, s6;
	p6 =	por @!p4 p3, p3  }
0x33: {  	[spmem:s28], [sflag:s6] =	dma.local @p4 [hbm:s5], $0x2700  }
0x34: {  	p6 =	por !p6, !p5  }
0x35: {  	p6 =	por !p6, !p6  }
.Ltmp4:
0x36: {  	_ = 	snop;
	(pc) =	sbr.rel @!p6 .LBB2_7-.Ltmp4, $4  }
0x37: {  	s6 =	simm.s32 @p4 $0x3  }
0x38: {  	_ =	swait.ge @p4 [sflag:s6], $0x2700  }
0x39: {  	[sflag:s6] =	ssyncset.done @p4 $0x0  }
0x3a: {  	s28 =	smov.u32 s5;
	[sflag:s6] =	ssyncadd.s32 @p4 $0xFFFFD900;
	s6 =	stileid.u32  }
.LBB2_6:
0x3b: {  	s6 =	sshll.u32 s6, $0x6  }
0x3c: {  	s7 =	sshrl.u32 s8, $0x3;
	s6 =	sor.u32 $0x1C03, s6  }
0x3d: {  	[spmem:s7], [sflag:s6] =	dma.local [hbm:s28], $0x2800  }
0x3e: {  	_ =	swait.ge [sflag:s26], $0x2800  }
0x3f: {  	[sflag:s26] =	ssyncset.done $0x0  }
0x40: {  	[sflag:s26] =	ssyncadd.s32 $0xFFFFD800  }
.LBB2_7:
0x41: {  	s28 =	simm.s32 $0x40;
	s6 =	simm.s32 $0x0  }
.LBB2_8:
0x42: {  	p6 =	sne.s32 s28, $0x9C00;
	[tilespmem:s6+$0x9E20] =	vst v1;
	s6 =	smov.u32 s28;
	s28 =	sadd.s32 $0x40, s28  }
.Ltmp5:
0x43: {  	(pc) =	sbr.rel @p6 .LBB2_8-.Ltmp5, $2  }
0x44: {  	_ =	sdelay $0x2  }
0x45: {  	s6 =	sshra.s32 s6, $0x2  }
0x46: {  	[tilespmem:s6+$0x9E20] =	vst v1  }
0x47: {  	s28 =	simm.s32 $0x0;
	[bflag:$0x0] =	sbarrier.arrive $0xFFFF  }
0x48: {  	[tilespmem:s30], [sflag:$0x1] =	stream.indirect.gather [hbm4b:s0+s29], $0x80, s28, s29, $0xb8;
	[tilespmem:$0x1FDB0] =	vst v63  }
0x49: {  	_ = 	snop  }
0x4a: {  	[tilespmem:s31], [sflag:$0x2] =	stream.indirect.gather [hbm4b:s0+s29], $0x80, s29, s29, $0xb8;
	[tilespmem:$0x1FDB0] =	vst v63  }
.LBB2_10:
0x4b: {  	s6 =	sshra.s32 s28, $0x2  }
0x4c: {  	v2 =	vld [tilespmem:s6+$0x2710];
	_ =	sdelay $0x7  }
0x4d: {  	[tilespmem:v2+s1+$0x0] =	vst.idx.add.f32.msk $0xffff, v0  }
0x4e: {  	v2 =	vld [tilespmem:s6+$0x2720];
	_ =	sdelay $0x7  }
0x4f: {  	[tilespmem:v2+s1+$0x0] =	vst.idx.add.f32.msk $0xffff, v0  }
0x50: {  	v2 =	vld [tilespmem:s6+$0x2730];
	_ =	sdelay $0x7  }
0x51: {  	[tilespmem:v2+s1+$0x0] =	vst.idx.add.f32.msk $0xffff, v0  }
0x52: {  	v2 =	vld [tilespmem:s6+$0x2740];
	_ =	sdelay $0x7  }
0x53: {  	[tilespmem:v2+s1+$0x0] =	vst.idx.add.f32.msk $0xffff, v0  }
0x54: {  	v2 =	vld [tilespmem:s6+$0x2750];
	_ =	sdelay $0x7  }
0x55: {  	[tilespmem:v2+s1+$0x0] =	vst.idx.add.f32.msk $0xffff, v0  }
0x56: {  	_ =	swait.ge [sflag:s9], $0x2800  }
0x57: {  	[sflag:s9] =	ssyncset.done $0x0  }
0x58: {  	s7 =	sadd.s32 $0x2710, s6;
	[sflag:s9] =	ssyncadd.s32 $0xFFFFD800  }
0x59: {  	[spmem:s3] =	stream.indirect.scatter.add.f32 [tilespmem:s30], [sflag:$0x3], $0x80, s7, s29, $0xb8;
	[tilespmem:$0x1FDB0] =	vst v63  }
0x5a: {  	_ =	swait.ge [sflag:s26], $0x2800  }
0x5b: {  	[sflag:s26] =	ssyncset.done $0x0  }
0x5c: {  	s7 =	sadd.s32 $0xA0, s6;
	[sflag:s26] =	ssyncadd.s32 $0xFFFFD800  }
0x5d: {  	[tilespmem:s30], [sflag:$0x1] =	stream.indirect.gather [hbm4b:s0+s29], $0x80, s7, s29, $0xb8;
	[tilespmem:$0x1FDB0] =	vst v63  }
0x5e: {  	v2 =	vld [tilespmem:s6+$0x2760];
	_ =	sdelay $0x7  }
0x5f: {  	[tilespmem:v2+s1+$0x0] =	vst.idx.add.f32.msk $0xffff, v0  }
0x60: {  	v2 =	vld [tilespmem:s6+$0x2770];
	_ =	sdelay $0x7  }
0x61: {  	[tilespmem:v2+s1+$0x0] =	vst.idx.add.f32.msk $0xffff, v0  }
0x62: {  	v2 =	vld [tilespmem:s6+$0x2780];
	_ =	sdelay $0x7  }
0x63: {  	[tilespmem:v2+s1+$0x0] =	vst.idx.add.f32.msk $0xffff, v0  }
0x64: {  	v2 =	vld [tilespmem:s6+$0x2790];
	_ =	sdelay $0x7  }
0x65: {  	[tilespmem:v2+s1+$0x0] =	vst.idx.add.f32.msk $0xffff, v0  }
0x66: {  	v2 =	vld [tilespmem:s6+$0x27A0];
	_ =	sdelay $0x7  }
0x67: {  	[tilespmem:v2+s1+$0x0] =	vst.idx.add.f32.msk $0xffff, v0  }
0x68: {  	_ =	swait.ge [sflag:s10], $0x2800  }
0x69: {  	[sflag:s10] =	ssyncset.done $0x0  }
0x6a: {  	p6 =	sne.s32 s28, $0x9600;
	s7 =	sadd.s32 $0x2760, s6;
	[sflag:s10] =	ssyncadd.s32 $0xFFFFD800  }
0x6b: {  	[spmem:s3] =	stream.indirect.scatter.add.f32 [tilespmem:s31], [sflag:$0x3], $0x80, s7, s29, $0xb8;
	[tilespmem:$0x1FDB0] =	vst v63  }
.Ltmp6:
0x6c: {  	_ = 	snop;
	(pc) =	sbr.rel @p6 .LBB2_10-.Ltmp6, $4  }
0x6d: {  	_ =	swait.ge [sflag:s26], $0x2800  }
0x6e: {  	[sflag:s26] =	ssyncset.done $0x0  }
0x6f: {  	s28 =	sadd.s32 $0x280, s28;
	s6 =	sadd.s32 $0xF0, s6;
	[sflag:s26] =	ssyncadd.s32 $0xFFFFD800  }
0x70: {  	[tilespmem:s31], [sflag:$0x2] =	stream.indirect.gather [hbm4b:s0+s29], $0x80, s6, s29, $0xb8;
	[tilespmem:$0x1FDB0] =	vst v63  }
0x71: {  	v2 =	vld [tilespmem:$0x4D30];
	_ =	sdelay $0x7  }
0x72: {  	[tilespmem:v2+s1+$0x0] =	vst.idx.add.f32.msk $0xffff, v0  }
0x73: {  	v2 =	vld [tilespmem:$0x4D40];
	_ =	sdelay $0x7  }
0x74: {  	[tilespmem:v2+s1+$0x0] =	vst.idx.add.f32.msk $0xffff, v0  }
0x75: {  	v2 =	vld [tilespmem:$0x4D50];
	_ =	sdelay $0x7  }
0x76: {  	[tilespmem:v2+s1+$0x0] =	vst.idx.add.f32.msk $0xffff, v0  }
0x77: {  	v2 =	vld [tilespmem:$0x4D60];
	_ =	sdelay $0x7  }
0x78: {  	[tilespmem:v2+s1+$0x0] =	vst.idx.add.f32.msk $0xffff, v0  }
0x79: {  	v2 =	vld [tilespmem:$0x4D70];
	_ =	sdelay $0x7  }
0x7a: {  	[tilespmem:v2+s1+$0x0] =	vst.idx.add.f32.msk $0xffff, v0  }
0x7b: {  	_ =	swait.ge [sflag:s9], $0x2800  }
0x7c: {  	[sflag:s9] =	ssyncset.done $0x0  }
0x7d: {  	s6 =	simm.s32 $0x4D30;
	[sflag:s9] =	ssyncadd.s32 $0xFFFFD800  }
0x7e: {  	[spmem:s3] =	stream.indirect.scatter.add.f32 [tilespmem:s30], [sflag:$0x3], $0x80, s6, s29, $0xb8;
	[tilespmem:$0x1FDB0] =	vst v63  }
0x7f: {  	_ =	swait.ge [sflag:s26], $0x2800  }
0x80: {  	[sflag:s26] =	ssyncset.done $0x0  }
0x81: {  	s7 =	simm.s32 $0x26C0;
	[sflag:s26] =	ssyncadd.s32 $0xFFFFD800  }
0x82: {  	[tilespmem:s30], [sflag:$0x1] =	stream.indirect.gather [hbm4b:s0+s29], $0x80, s7, s29, $0xb8;
	[tilespmem:$0x1FDB0] =	vst v63  }
0x83: {  	v2 =	vld [tilespmem:$0x4D80];
	_ =	sdelay $0x7  }
0x84: {  	[tilespmem:v2+s1+$0x0] =	vst.idx.add.f32.msk $0xffff, v0  }
0x85: {  	v2 =	vld [tilespmem:$0x4D90];
	_ =	sdelay $0x7  }
0x86: {  	[tilespmem:v2+s1+$0x0] =	vst.idx.add.f32.msk $0xffff, v0  }
0x87: {  	v2 =	vld [tilespmem:$0x4DA0];
	_ =	sdelay $0x7  }
0x88: {  	[tilespmem:v2+s1+$0x0] =	vst.idx.add.f32.msk $0xffff, v0  }
0x89: {  	v2 =	vld [tilespmem:$0x4DB0];
	_ =	sdelay $0x7  }
0x8a: {  	[tilespmem:v2+s1+$0x0] =	vst.idx.add.f32.msk $0xffff, v0  }
0x8b: {  	v2 =	vld [tilespmem:$0x4DC0];
	_ =	sdelay $0x7  }
0x8c: {  	[tilespmem:v2+s1+$0x0] =	vst.idx.add.f32.msk $0xffff, v0  }
0x8d: {  	_ =	swait.ge [sflag:s10], $0x2800  }
0x8e: {  	[sflag:s10] =	ssyncset.done $0x0  }
0x8f: {  	s28 =	simm.s32 $0x4D80;
	[sflag:s10] =	ssyncadd.s32 $0xFFFFD800  }
0x90: {  	[spmem:s3] =	stream.indirect.scatter.add.f32 [tilespmem:s31], [sflag:$0x3], $0x80, s28, s29, $0xb8;
	[tilespmem:$0x1FDB0] =	vst v63  }
0x91: {  	_ =	swait.ge [sflag:s26], $0x2800  }
0x92: {  	[sflag:s26] =	ssyncset.done $0x0  }
0x93: {  	[sflag:s26] =	ssyncadd.s32 $0xFFFFD800  }
0x94: {  	v2 =	vld [tilespmem:$0x4DD0];
	_ =	sdelay $0x7  }
0x95: {  	[tilespmem:v2+s1+$0x0] =	vst.idx.add.f32.msk $0xffff, v0  }
0x96: {  	v2 =	vld [tilespmem:$0x4DE0];
	_ =	sdelay $0x7  }
0x97: {  	[tilespmem:v2+s1+$0x0] =	vst.idx.add.f32.msk $0xffff, v0  }
0x98: {  	v2 =	vld [tilespmem:$0x4DF0];
	_ =	sdelay $0x7  }
0x99: {  	[tilespmem:v2+s1+$0x0] =	vst.idx.add.f32.msk $0xffff, v0  }
0x9a: {  	v2 =	vld [tilespmem:$0x4E00];
	_ =	sdelay $0x7  }
0x9b: {  	[tilespmem:v2+s1+$0x0] =	vst.idx.add.f32.msk $0xffff, v0  }
0x9c: {  	v2 =	vld [tilespmem:$0x4E10];
	_ =	sdelay $0x7  }
0x9d: {  	[tilespmem:v2+s1+$0x0] =	vst.idx.add.f32.msk $0xffff, v0  }
0x9e: {  	_ =	swait.ge [sflag:s9], $0x2800  }
0x9f: {  	[sflag:s9] =	ssyncset.done $0x0  }
0xa0: {  	s7 =	simm.s32 $0x4DD0;
	[sflag:s9] =	ssyncadd.s32 $0xFFFFD800  }
0xa1: {  	[spmem:s3] =	stream.indirect.scatter.add.f32 [tilespmem:s30], [sflag:$0x3], $0x80, s7, s29, $0xb8;
	[tilespmem:$0x1FDB0] =	vst v63  }
0xa2: {  	_ =	swait.ge [sflag:s26], $0x2800  }
0xa3: {  	[sflag:s26] =	ssyncset.done $0x0  }
0xa4: {  	[sflag:s26] =	ssyncadd.s32 $0xFFFFD800  }
0xa5: {  	[bflag:$0x0] =	sbarrier.arrive $0xFFFF  }
0xa6: {  	[hbm4b:s12+s4] =	stream.linear.scatter [tilespmem:s1], [sflag:$0x3], $0x3E8, $0x38;
	[tilespmem:$0x1FDB0] =	vst v63  }
0xa7: {  	_ =	swait.ge [sflag:s26], $0x3E8  }
0xa8: {  	[sflag:s26] =	ssyncset.done $0x0  }
0xa9: {  	s28 =	simm.s32 $0xA208;
	[sflag:s26] =	ssyncadd.s32 $0xFFFFFC18  }
0xaa: {  	[hbm4b:s13+s4] =	stream.linear.scatter [tilespmem:s28], [sflag:$0x3], $0x3E8, $0x38;
	[tilespmem:$0x1FDB0] =	vst v63  }
0xab: {  	_ =	swait.ge [sflag:s26], $0x3E8  }
0xac: {  	[sflag:s26] =	ssyncset.done $0x0  }
0xad: {  	s7 =	simm.s32 $0xA5F0;
	[sflag:s26] =	ssyncadd.s32 $0xFFFFFC18  }
0xae: {  	[hbm4b:s14+s4] =	stream.linear.scatter [tilespmem:s7], [sflag:$0x3], $0x3E8, $0x38;
	[tilespmem:$0x1FDB0] =	vst v63  }
0xaf: {  	_ =	swait.ge [sflag:s26], $0x3E8  }
0xb0: {  	[sflag:s26] =	ssyncset.done $0x0  }
0xb1: {  	s28 =	simm.s32 $0xA9D8;
	[sflag:s26] =	ssyncadd.s32 $0xFFFFFC18  }
0xb2: {  	[hbm4b:s15+s4] =	stream.linear.scatter [tilespmem:s28], [sflag:$0x3], $0x3E8, $0x38;
	[tilespmem:$0x1FDB0] =	vst v63  }
0xb3: {  	_ =	swait.ge [sflag:s26], $0x3E8  }
0xb4: {  	[sflag:s26] =	ssyncset.done $0x0  }
0xb5: {  	s7 =	simm.s32 $0xADC0;
	[sflag:s26] =	ssyncadd.s32 $0xFFFFFC18  }
0xb6: {  	[hbm4b:s16+s4] =	stream.linear.scatter [tilespmem:s7], [sflag:$0x3], $0x3E8, $0x38;
	[tilespmem:$0x1FDB0] =	vst v63  }
0xb7: {  	_ =	swait.ge [sflag:s26], $0x3E8  }
0xb8: {  	[sflag:s26] =	ssyncset.done $0x0  }
0xb9: {  	s28 =	simm.s32 $0xB1A8;
	[sflag:s26] =	ssyncadd.s32 $0xFFFFFC18  }
0xba: {  	[hbm4b:s17+s4] =	stream.linear.scatter [tilespmem:s28], [sflag:$0x3], $0x3E8, $0x38;
	[tilespmem:$0x1FDB0] =	vst v63  }
0xbb: {  	_ =	swait.ge [sflag:s26], $0x3E8  }
0xbc: {  	[sflag:s26] =	ssyncset.done $0x0  }
0xbd: {  	s7 =	simm.s32 $0xB590;
	[sflag:s26] =	ssyncadd.s32 $0xFFFFFC18  }
0xbe: {  	[hbm4b:s18+s4] =	stream.linear.scatter [tilespmem:s7], [sflag:$0x3], $0x3E8, $0x38;
	[tilespmem:$0x1FDB0] =	vst v63  }
0xbf: {  	_ =	swait.ge [sflag:s26], $0x3E8  }
0xc0: {  	[sflag:s26] =	ssyncset.done $0x0  }
0xc1: {  	s28 =	simm.s32 $0xB978;
	[sflag:s26] =	ssyncadd.s32 $0xFFFFFC18  }
0xc2: {  	[hbm4b:s19+s4] =	stream.linear.scatter [tilespmem:s28], [sflag:$0x3], $0x3E8, $0x38;
	[tilespmem:$0x1FDB0] =	vst v63  }
0xc3: {  	_ =	swait.ge [sflag:s26], $0x3E8  }
0xc4: {  	[sflag:s26] =	ssyncset.done $0x0  }
0xc5: {  	s7 =	simm.s32 $0xBD60;
	[sflag:s26] =	ssyncadd.s32 $0xFFFFFC18  }
0xc6: {  	[hbm4b:s21+s4] =	stream.linear.scatter [tilespmem:s7], [sflag:$0x3], $0x3E8, $0x38;
	[tilespmem:$0x1FDB0] =	vst v63  }
0xc7: {  	_ =	swait.ge [sflag:s26], $0x3E8  }
0xc8: {  	[sflag:s26] =	ssyncset.done $0x0  }
0xc9: {  	s28 =	simm.s32 $0xC148;
	[sflag:s26] =	ssyncadd.s32 $0xFFFFFC18  }
0xca: {  	[hbm4b:s22+s4] =	stream.linear.scatter [tilespmem:s28], [sflag:$0x3], $0x3E8, $0x38;
	[tilespmem:$0x1FDB0] =	vst v63  }
0xcb: {  	_ =	swait.ge [sflag:s26], $0x3E8  }
0xcc: {  	s6 =	sshll.u32 @!p0 s2, $0x6;
	[sflag:s26] =	ssyncset.done $0x0  }
0xcd: {  	s6 =	sor.u32 @!p0 $0x1C03, s6;
	s7 =	sshrl.u32 @!p0 s11, $0x3;
	[sflag:s26] =	ssyncadd.s32 $0xFFFFFC18  }
0xce: {  	[hbm:s20], [sflag:s6] =	dma.local @!p0 [spmem:s7], $0x2700  }
0xcf: {  	s6 =	simm.s32 @!p0 $0x3  }
0xd0: {  	s25 =	sadd.s32 $0x1, s25;
	_ =	swait.ge @!p0 [sflag:s6], $0x2700  }
0xd1: {  	p6 =	sne.s32 s25, s24;
	s7 =	sshll.u32 @p5 s2, $0x6;
	[sflag:s6] =	ssyncset.done @!p0 $0x0  }
0xd2: {  	[sflag:s6] =	ssyncadd.s32 @!p0 $0xFFFFD900;
	s6 =	sor.u32 @p5 $0x1C03, s7;
	s7 =	sshrl.u32 @p5 s8, $0x3  }
0xd3: {  	[hbm:s23], [sflag:s6] =	dma.local @p5 [spmem:s7], $0x2800  }
.Ltmp7:
0xd4: {  	_ = 	snop;
	(pc) =	sbr.rel @p6 .LBB2_1-.Ltmp7, $4  }
0xd5: {  	s6 =	simm.s32 @p5 $0x3  }
0xd6: {  	_ =	swait.ge @p5 [sflag:s6], $0x2800  }
0xd7: {  	[sflag:s6] =	ssyncset.done @p5 $0x0  }
0xd8: {  	[sflag:s6] =	ssyncadd.s32 @p5 $0xFFFFD800  }
0xd9: {  	_ =	sfence.sel $0x180000  }
0xda: {  	[bflag:$0x0] =	sbarrier.arrive $0xFFFF  }
0xdb: {  	_ =	strace $0x90000047  }
0xdc: {  	[bflag:$0x2] =	sbarrier.arrive $0xFFFF  }
0xdd: {  	p0 =	sne.s32 s2, $0x0;
	s0 =	rddreg [dreg:$0x3]  }
0xde: {  	s0 =	sadd.s32 @!p0 $0x100000, s0  }
0xdf: {  	[sflag:s0] =	ssyncadd.tile.s32 @!p0 $0x1;
	_ =	shalt  }
.Lfunc_end2:
_tile_overlayer_lowered:
.L_overlay_start_2:
0xe0: {  	(tag) =	ssettag $0x2  }
0xe1: {  	s0 =	rddreg [dreg:$0x0];
	s2 =	stileid.u32  }
0xe2: {  	s1 =	rddreg [dreg:$0x1];
	p0 =	sne.s32 s2, $0x0  }
0xe3: {  	s3 =	rddreg [dreg:$0x2];
	[bflag:$0x3] =	sbarrier.arrive $0xFFFF;
	s2 =	simm.s32 @!p0 $0x1C03  }
0xe4: {  	[timem:s3], [sflag:s2] =	dma.local @!p0 [hbm:s0], s1  }
0xe5: {  	s0 =	simm.s32 @!p0 $0x3  }
0xe6: {  	_ =	swait.ge @!p0 [sflag:s0], s1  }
0xe7: {  	s1 =	ssub.s32 @!p0 $0x0, s1;
	[sflag:s0] =	ssyncset.done @!p0 $0x0  }
0xe8: {  	[sflag:s0] =	ssyncadd.s32 @!p0 s1  }
0xe9: {  	[bflag:$0x3] =	sbarrier.arrive $0xFFFF  }
0xea: {  	_ =	shalt  }

</sc_bundles>
